<compile_context>
chip_gen: v7x
topology: tpu7x:2x2x1
jax: 0.10.2.dev20260603
libtpu: 0.0.44.dev20260713+nightly
codegen_flags: <defaults>
</compile_context>

<pallas_src>
import functools

import jax
import jax.numpy as jnp
from jax import lax
from jax.experimental import pallas as pl
from jax.experimental.pallas import tpu as pltpu
from jax.experimental.pallas import tpu_sc as plsc

B = 16384
D = 64
H = 128
V = 1000000
QR = 524288
Q2 = 262144
WB = 16384
NC = 2
NS = 16
NW = NC * NS
BPW = B // NW
CH = BPW // 2



def _tr_body(a_ref, b_ref, out_ref):
    a16 = a_ref[...].T.astype(jnp.bfloat16)
    b16 = b_ref[...].T.astype(jnp.bfloat16)
    pa = pltpu.bitcast(a16, jnp.float32)
    pb = pltpu.bitcast(b16, jnp.float32)
    out_ref[...] = jnp.concatenate([pa, pb], axis=1)


def _pair_table(tabT):
    nlast = V // (2 * WB)
    return pl.pallas_call(
        _tr_body,
        grid=(Q2 // WB,),
        in_specs=[
            pl.BlockSpec((D, 2 * WB), lambda i: (0, i)),
            pl.BlockSpec((D, 2 * WB),
                         lambda i: (0, jnp.minimum(i + QR // (2 * WB), nlast))),
        ],
        out_specs=pl.BlockSpec((WB, 128), lambda i: (i, 0)),
        out_shape=jax.ShapeDtypeStruct((Q2, 128), jnp.float32),
        compiler_params=pltpu.CompilerParams(vmem_limit_bytes=112 * 1024 * 1024),
    )(tabT, tabT)



def _gather_steps(idx_hbm, tables, e_out, idxs, bufs, sems, base):
    for t in range(len(tables)):
        pltpu.sync_copy(idx_hbm.at[pl.ds(t * B + base, BPW)], idxs[t])
    pending = [None, None]
    dst = [None, None]
    step = 0
    for t in range(len(tables)):
        for c in range(2):
            s = step % 2
            if pending[s] is not None:
                pending[s].wait()
                pltpu.sync_copy(bufs[s], e_out.at[dst[s][0], pl.ds(dst[s][1], CH)])
            pending[s] = pltpu.async_copy(
                tables[t].at[idxs[t].at[pl.ds(c * CH, CH)]], bufs[s], sems[s])
            dst[s] = (t, base + c * CH)
            step += 1
    for s in range(2):
        pending[s].wait()
        pltpu.sync_copy(bufs[s], e_out.at[dst[s][0], pl.ds(dst[s][1], CH)])


def _sc_gather_cats_body(cat_idx, c1_t, c2_t, c3_t, e_out,
                         idx0, idx1, idx2, rows0, rows1, sem0, sem1):
    wid = lax.axis_index("s") * NC + lax.axis_index("c")
    _gather_steps(cat_idx, (c1_t, c2_t, c3_t), e_out,
                  (idx0, idx1, idx2), (rows0, rows1), (sem0, sem1), wid * BPW)


def _sc_gather_item_body(item_idx, quad_t, e_out,
                         idx0, rows0, rows1, sem0, sem1):
    wid = lax.axis_index("s") * NC + lax.axis_index("c")
    base = wid * BPW
    pltpu.sync_copy(item_idx.at[pl.ds(base, BPW)], idx0)
    cp0 = pltpu.async_copy(quad_t.at[idx0.at[pl.ds(0, CH)]], rows0, sem0)
    cp1 = pltpu.async_copy(quad_t.at[idx0.at[pl.ds(CH, CH)]], rows1, sem1)
    cp0.wait()
    pltpu.sync_copy(rows0, e_out.at[pl.ds(base, CH)])
    cp1.wait()
    pltpu.sync_copy(rows1, e_out.at[pl.ds(base + CH, CH)])


@functools.cache
def _sc_gather_cats():
    return pl.kernel(
        _sc_gather_cats_body,
        out_type=jax.ShapeDtypeStruct((3, B, 2 * D), jnp.float32),
        mesh=plsc.VectorSubcoreMesh(core_axis_name="c", subcore_axis_name="s"),
        scratch_types=[
            pltpu.VMEM((BPW,), jnp.int32),
            pltpu.VMEM((BPW,), jnp.int32),
            pltpu.VMEM((BPW,), jnp.int32),
            pltpu.VMEM((CH, 2 * D), jnp.float32),
            pltpu.VMEM((CH, 2 * D), jnp.float32),
            pltpu.SemaphoreType.DMA,
            pltpu.SemaphoreType.DMA,
        ],
    )


@functools.cache
def _sc_gather_item():
    return pl.kernel(
        _sc_gather_item_body,
        out_type=jax.ShapeDtypeStruct((B, 2 * D), jnp.float32),
        mesh=plsc.VectorSubcoreMesh(core_axis_name="c", subcore_axis_name="s"),
        scratch_types=[
            pltpu.VMEM((BPW,), jnp.int32),
            pltpu.VMEM((CH, 2 * D), jnp.float32),
            pltpu.VMEM((CH, 2 * D), jnp.float32),
            pltpu.SemaphoreType.DMA,
            pltpu.SemaphoreType.DMA,
        ],
    )



def _half(x, bit):
    return jnp.where(bit[:, None] == 1, x[:, D:2 * D], x[:, 0:D])


def _mlp_body(ei_ref, ec_ref, par_ref, w1_ref, b1_ref, w2_ref, b2_ref, out_ref):
    xh0 = _half(ei_ref[...], par_ref[0])
    u = jax.lax.bitcast_convert_type(xh0, jnp.int32)
    chosen = jnp.where(par_ref[1][:, None] == 1, u & jnp.int32(-65536), u << 16)
    xi = jax.lax.bitcast_convert_type(chosen, jnp.float32)

    h = jnp.dot(xi, w1_ref[0:D], preferred_element_type=jnp.float32)
    for t in range(3):
        ct = _half(ec_ref[t], par_ref[t + 2])
        h += jnp.dot(ct, w1_ref[(t + 1) * D:(t + 2) * D],
                     preferred_element_type=jnp.float32)
    h = jnp.maximum(h + b1_ref[...], 0.0)
    out_ref[...] = jnp.dot(h, w2_ref[...], preferred_element_type=jnp.float32) + b2_ref[...]


def _mlp(ei, ec, par, w1, b1, w2, b2, blk=2048):
    return pl.pallas_call(
        _mlp_body,
        grid=(B // blk,),
        in_specs=[
            pl.BlockSpec((blk, 2 * D), lambda i: (i, 0)),
            pl.BlockSpec((3, blk, 2 * D), lambda i: (0, i, 0)),
            pl.BlockSpec((5, blk), lambda i: (0, i)),
            pl.BlockSpec((4 * D, H), lambda i: (0, 0)),
            pl.BlockSpec((1, H), lambda i: (0, 0)),
            pl.BlockSpec((H, D), lambda i: (0, 0)),
            pl.BlockSpec((1, D), lambda i: (0, 0)),
        ],
        out_specs=pl.BlockSpec((blk, D), lambda i: (i, 0)),
        out_shape=jax.ShapeDtypeStruct((B, D), jnp.float32),
    )(ei, ec, par, w1, b1, w2, b2)


def kernel(item_id, category, category2, category3,
           item_table, cat1_table, cat2_table, cat3_table,
           W1, b1, W2, b2):
    cat_idx = jnp.stack([category >> 1, category2 >> 1, category3 >> 1]).reshape(-1)
    ec = _sc_gather_cats()(cat_idx,
                           cat1_table.reshape(-1, 2 * D),
                           cat2_table.reshape(-1, 2 * D),
                           cat3_table.reshape(-1, 2 * D))

    quad = _pair_table(item_table.T)

    reg = (item_id >= QR).astype(jnp.int32)
    loc = item_id - QR * reg
    ei = _sc_gather_item()(loc >> 1, quad)

    par = jnp.stack([reg, loc & 1, category & 1, category2 & 1, category3 & 1])
    return _mlp(ei, ec, par, W1, b1.reshape(1, H), W2, b2.reshape(1, D))

# --- scband reference (transcript-rebuilt; emitter-appended) ---
"""Pipeline reference for scband-item-model-1546188226893 (READ-ONLY COPY).

The authoritative reference and input builder live on the scoring server;
editing this copy changes nothing except your own understanding.
"""

import jax, jax.numpy as jnp
import numpy as np

B = 16384
ITEM_V = 1000000
CAT_V = 1000
D = 64
H = 128

def setup_inputs(seed: int = 0) -> dict:
    key = jax.random.key(seed)
    ks = jax.random.split(key, 12)
    item_id = jax.random.randint(ks[0], (B,), 0, ITEM_V, dtype=jnp.int32)
    category = jax.random.randint(ks[1], (B,), 0, CAT_V, dtype=jnp.int32)
    category2 = jax.random.randint(ks[2], (B,), 0, CAT_V, dtype=jnp.int32)
    category3 = jax.random.randint(ks[3], (B,), 0, CAT_V, dtype=jnp.int32)
    item_table = jax.random.normal(ks[4], (ITEM_V, D), dtype=jnp.float32) * 0.05
    cat1_table = jax.random.normal(ks[5], (CAT_V, D), dtype=jnp.float32) * 0.05
    cat2_table = jax.random.normal(ks[6], (CAT_V, D), dtype=jnp.float32) * 0.05
    cat3_table = jax.random.normal(ks[7], (CAT_V, D), dtype=jnp.float32) * 0.05
    W1 = jax.random.normal(ks[8], (4 * D, H), dtype=jnp.float32) * 0.02
    b1 = jnp.zeros((H,), dtype=jnp.float32)
    W2 = jax.random.normal(ks[9], (H, D), dtype=jnp.float32) * 0.02
    b2 = jnp.zeros((D,), dtype=jnp.float32)
    return {"item_id": item_id, "category": category, "category2": category2,
            "category3": category3, "item_table": item_table, "cat1_table": cat1_table,
            "cat2_table": cat2_table, "cat3_table": cat3_table,
            "W1": W1, "b1": b1, "W2": W2, "b2": b2}

def reference(item_id, category, category2, category3,
              item_table, cat1_table, cat2_table, cat3_table,
              W1, b1, W2, b2):
    e_item = jnp.take(item_table, item_id, axis=0)
    e_c1 = jnp.take(cat1_table, category, axis=0)
    e_c2 = jnp.take(cat2_table, category2, axis=0)
    e_c3 = jnp.take(cat3_table, category3, axis=0)
    x = jnp.concatenate([e_item, e_c1, e_c2, e_c3], axis=-1)
    h = jax.nn.relu(x @ W1 + b1)
    # Dropout is identity at inference time
    out = h @ W2 + b2
    return out

if __name__ == "__main__":
    import jax
    _d = setup_inputs()
    print(jax.jit(kernel)(*tuple(_d.values())))

</pallas_src>

<mosaic_0001>
#map = affine_map<(d0, d1) -> (0)>
#map1 = affine_map<(d0, d1) -> (0, 0)>
module attributes {stable_mosaic.version = 14 : i64} {
  func.func @_sc_gather_item_body(%arg0: i32, %arg1: i32, %arg2: memref<16384xi32, #tpu.memory_space<hbm>>, %arg3: memref<262144x128xf32, #tpu.memory_space<hbm>>, %arg4: memref<16384x128xf32, #tpu.memory_space<hbm>>, %arg5: memref<512xi32, #tpu.memory_space<vmem>>, %arg6: memref<256x128xf32, #tpu.memory_space<vmem>>, %arg7: memref<256x128xf32, #tpu.memory_space<vmem>>, %arg8: memref<!tpu.dma_semaphore, #tpu.memory_space<semaphore_mem>>, %arg9: memref<!tpu.dma_semaphore, #tpu.memory_space<semaphore_mem>>) attributes {dimension_semantics = [#tpu.dimension_semantics<core_parallel>, #tpu.dimension_semantics<subcore_parallel>], iteration_bounds = array<i64: 2, 16>, scalar_prefetch = 0 : i64, scratch_operands = 5 : i64, tpu.core_type = #tpu.core_type<sc_vector_subcore>, window_params = [{transform_indices = #map}, {transform_indices = #map1}, {transform_indices = #map1}]} {
    %mul3A = arith.constant 2 : i32
    %mul3A_0 = arith.muli %arg1, %mul3A : i32
    %add3A = arith.addi %mul3A_0, %arg0 : i32
    %mul3A_1 = arith.constant 512 : i32
    %mul3A_2 = arith.muli %add3A, %mul3A_1 : i32
    "tpu.region"() ({
      %run_scoped3A = tpu.sem_alloc : memref<!tpu.dma_semaphore, #tpu.memory_space<semaphore_mem>>
      %dma_start3A_23 = tpu.memref_slice %arg2[%mul3A_2] : memref<16384xi32, #tpu.memory_space<hbm>> -> memref<512xi32, #tpu.memory_space<hbm>>
      %dma_start3A_24 = tpu.memref_slice %arg2[%mul3A_2] : memref<16384xi32, #tpu.memory_space<hbm>> -> memref<512xi32, #tpu.memory_space<hbm>>
      tpu.enqueue_dma source(%dma_start3A_24 : memref<512xi32, #tpu.memory_space<hbm>>) target(%arg5 : memref<512xi32, #tpu.memory_space<vmem>>) target_semaphore(%run_scoped3A : memref<!tpu.dma_semaphore, #tpu.memory_space<semaphore_mem>>)
      %dma_wait3A_25 = tpu.memref_slice %arg2[%mul3A_2] : memref<16384xi32, #tpu.memory_space<hbm>> -> memref<512xi32, #tpu.memory_space<hbm>>
      %dma_wait3A_26 = tpu.memref_slice %arg2[%mul3A_2] : memref<16384xi32, #tpu.memory_space<hbm>> -> memref<512xi32, #tpu.memory_space<hbm>>
      tpu.wait_dma2 semaphore(%run_scoped3A : memref<!tpu.dma_semaphore, #tpu.memory_space<semaphore_mem>>) src(%dma_wait3A_26 : memref<512xi32, #tpu.memory_space<hbm>>) dst(%arg5 : memref<512xi32, #tpu.memory_space<vmem>>)
      tpu.yield
    }) : () -> ()
    %dma_start3A = arith.constant 0 : i32
    %dma_start3A_3 = tpu.memref_slice %arg5[%dma_start3A] : memref<512xi32, #tpu.memory_space<vmem>> -> memref<256xi32, #tpu.memory_space<vmem>>
    %dma_start3A_4 = arith.constant 0 : i32
    %dma_start3A_5 = arith.constant 0 : i32
    %dma_start3A_6 = tpu.memref_slice %arg3[%dma_start3A_4, %dma_start3A_5] : memref<262144x128xf32, #tpu.memory_space<hbm>> -> memref<262144x128xf32, #tpu.memory_space<hbm>>
    tpu.enqueue_indirect_dma source(%dma_start3A_6 : memref<262144x128xf32, #tpu.memory_space<hbm>>) target(%arg6 : memref<256x128xf32, #tpu.memory_space<vmem>>) offsets(%dma_start3A_3 : memref<256xi32, #tpu.memory_space<vmem>>) semaphore(%arg8 : memref<!tpu.dma_semaphore, #tpu.memory_space<semaphore_mem>>)
    %dma_start3A_7 = arith.constant 256 : i32
    %dma_start3A_8 = tpu.memref_slice %arg5[%dma_start3A_7] : memref<512xi32, #tpu.memory_space<vmem>> -> memref<256xi32, #tpu.memory_space<vmem>>
    %dma_start3A_9 = arith.constant 0 : i32
    %dma_start3A_10 = arith.constant 0 : i32
    %dma_start3A_11 = tpu.memref_slice %arg3[%dma_start3A_9, %dma_start3A_10] : memref<262144x128xf32, #tpu.memory_space<hbm>> -> memref<262144x128xf32, #tpu.memory_space<hbm>>
    tpu.enqueue_indirect_dma source(%dma_start3A_11 : memref<262144x128xf32, #tpu.memory_space<hbm>>) target(%arg7 : memref<256x128xf32, #tpu.memory_space<vmem>>) offsets(%dma_start3A_8 : memref<256xi32, #tpu.memory_space<vmem>>) semaphore(%arg9 : memref<!tpu.dma_semaphore, #tpu.memory_space<semaphore_mem>>)
    %dma_wait3A = arith.constant 0 : i32
    %dma_wait3A_12 = tpu.memref_slice %arg5[%dma_wait3A] : memref<512xi32, #tpu.memory_space<vmem>> -> memref<256xi32, #tpu.memory_space<vmem>>
    %dma_wait3A_13 = arith.constant 0 : i32
    %dma_wait3A_14 = arith.constant 0 : i32
    %dma_wait3A_15 = tpu.memref_slice %arg3[%dma_wait3A_13, %dma_wait3A_14] : memref<262144x128xf32, #tpu.memory_space<hbm>> -> memref<262144x128xf32, #tpu.memory_space<hbm>>
    tpu.wait_indirect_dma semaphore(%arg8 : memref<!tpu.dma_semaphore, #tpu.memory_space<semaphore_mem>>) src(%dma_wait3A_15 : memref<262144x128xf32, #tpu.memory_space<hbm>>) dst(%arg6 : memref<256x128xf32, #tpu.memory_space<vmem>>)
    "tpu.region"() ({
      %run_scoped3A = tpu.sem_alloc : memref<!tpu.dma_semaphore, #tpu.memory_space<semaphore_mem>>
      %dma_start3A_23 = arith.constant 0 : i32
      %dma_start3A_24 = tpu.memref_slice %arg4[%mul3A_2, %dma_start3A_23] : memref<16384x128xf32, #tpu.memory_space<hbm>> -> memref<256x128xf32, #tpu.memory_space<hbm>>
      %dma_start3A_25 = arith.constant 0 : i32
      %dma_start3A_26 = tpu.memref_slice %arg4[%mul3A_2, %dma_start3A_25] : memref<16384x128xf32, #tpu.memory_space<hbm>> -> memref<256x128xf32, #tpu.memory_space<hbm>>
      tpu.enqueue_dma source(%arg6 : memref<256x128xf32, #tpu.memory_space<vmem>>) target(%dma_start3A_26 : memref<256x128xf32, #tpu.memory_space<hbm>>) target_semaphore(%run_scoped3A : memref<!tpu.dma_semaphore, #tpu.memory_space<semaphore_mem>>)
      %dma_wait3A_27 = arith.constant 0 : i32
      %dma_wait3A_28 = tpu.memref_slice %arg4[%mul3A_2, %dma_wait3A_27] : memref<16384x128xf32, #tpu.memory_space<hbm>> -> memref<256x128xf32, #tpu.memory_space<hbm>>
      %dma_wait3A_29 = arith.constant 0 : i32
      %dma_wait3A_30 = tpu.memref_slice %arg4[%mul3A_2, %dma_wait3A_29] : memref<16384x128xf32, #tpu.memory_space<hbm>> -> memref<256x128xf32, #tpu.memory_space<hbm>>
      tpu.wait_dma2 semaphore(%run_scoped3A : memref<!tpu.dma_semaphore, #tpu.memory_space<semaphore_mem>>) src(%arg6 : memref<256x128xf32, #tpu.memory_space<vmem>>) dst(%dma_wait3A_30 : memref<256x128xf32, #tpu.memory_space<hbm>>)
      tpu.yield
    }) : () -> ()
    %dma_wait3A_16 = arith.constant 256 : i32
    %dma_wait3A_17 = tpu.memref_slice %arg5[%dma_wait3A_16] : memref<512xi32, #tpu.memory_space<vmem>> -> memref<256xi32, #tpu.memory_space<vmem>>
    %dma_wait3A_18 = arith.constant 0 : i32
    %dma_wait3A_19 = arith.constant 0 : i32
    %dma_wait3A_20 = tpu.memref_slice %arg3[%dma_wait3A_18, %dma_wait3A_19] : memref<262144x128xf32, #tpu.memory_space<hbm>> -> memref<262144x128xf32, #tpu.memory_space<hbm>>
    tpu.wait_indirect_dma semaphore(%arg9 : memref<!tpu.dma_semaphore, #tpu.memory_space<semaphore_mem>>) src(%dma_wait3A_20 : memref<262144x128xf32, #tpu.memory_space<hbm>>) dst(%arg7 : memref<256x128xf32, #tpu.memory_space<vmem>>)
    %add3A_21 = arith.constant 256 : i32
    %add3A_22 = arith.addi %mul3A_2, %add3A_21 : i32
    "tpu.region"() ({
      %run_scoped3A = tpu.sem_alloc : memref<!tpu.dma_semaphore, #tpu.memory_space<semaphore_mem>>
      %dma_start3A_23 = arith.constant 0 : i32
      %dma_start3A_24 = tpu.memref_slice %arg4[%add3A_22, %dma_start3A_23] : memref<16384x128xf32, #tpu.memory_space<hbm>> -> memref<256x128xf32, #tpu.memory_space<hbm>>
      %dma_start3A_25 = arith.constant 0 : i32
      %dma_start3A_26 = tpu.memref_slice %arg4[%add3A_22, %dma_start3A_25] : memref<16384x128xf32, #tpu.memory_space<hbm>> -> memref<256x128xf32, #tpu.memory_space<hbm>>
      tpu.enqueue_dma source(%arg7 : memref<256x128xf32, #tpu.memory_space<vmem>>) target(%dma_start3A_26 : memref<256x128xf32, #tpu.memory_space<hbm>>) target_semaphore(%run_scoped3A : memref<!tpu.dma_semaphore, #tpu.memory_space<semaphore_mem>>)
      %dma_wait3A_27 = arith.constant 0 : i32
      %dma_wait3A_28 = tpu.memref_slice %arg4[%add3A_22, %dma_wait3A_27] : memref<16384x128xf32, #tpu.memory_space<hbm>> -> memref<256x128xf32, #tpu.memory_space<hbm>>
      %dma_wait3A_29 = arith.constant 0 : i32
      %dma_wait3A_30 = tpu.memref_slice %arg4[%add3A_22, %dma_wait3A_29] : memref<16384x128xf32, #tpu.memory_space<hbm>> -> memref<256x128xf32, #tpu.memory_space<hbm>>
      tpu.wait_dma2 semaphore(%run_scoped3A : memref<!tpu.dma_semaphore, #tpu.memory_space<semaphore_mem>>) src(%arg7 : memref<256x128xf32, #tpu.memory_space<vmem>>) dst(%dma_wait3A_30 : memref<256x128xf32, #tpu.memory_space<hbm>>)
      tpu.yield
    }) : () -> ()
    return
  }
}

#map = affine_map<(d0, d1) -> (0)>
#map1 = affine_map<(d0, d1) -> (0, 0)>
#map2 = affine_map<(d0, d1) -> (0, 0, 0)>
module attributes {stable_mosaic.version = 14 : i64} {
  func.func @_sc_gather_cats_body(%arg0: i32, %arg1: i32, %arg2: memref<49152xi32, #tpu.memory_space<hbm>>, %arg3: memref<500x128xf32, #tpu.memory_space<hbm>>, %arg4: memref<500x128xf32, #tpu.memory_space<hbm>>, %arg5: memref<500x128xf32, #tpu.memory_space<hbm>>, %arg6: memref<3x16384x128xf32, #tpu.memory_space<hbm>>, %arg7: memref<512xi32, #tpu.memory_space<vmem>>, %arg8: memref<512xi32, #tpu.memory_space<vmem>>, %arg9: memref<512xi32, #tpu.memory_space<vmem>>, %arg10: memref<256x128xf32, #tpu.memory_space<vmem>>, %arg11: memref<256x128xf32, #tpu.memory_space<vmem>>, %arg12: memref<!tpu.dma_semaphore, #tpu.memory_space<semaphore_mem>>, %arg13: memref<!tpu.dma_semaphore, #tpu.memory_space<semaphore_mem>>) attributes {dimension_semantics = [#tpu.dimension_semantics<core_parallel>, #tpu.dimension_semantics<subcore_parallel>], iteration_bounds = array<i64: 2, 16>, scalar_prefetch = 0 : i64, scratch_operands = 7 : i64, tpu.core_type = #tpu.core_type<sc_vector_subcore>, window_params = [{transform_indices = #map}, {transform_indices = #map1}, {transform_indices = #map1}, {transform_indices = #map1}, {transform_indices = #map2}]} {
    %mul3A = arith.constant 2 : i32
    %mul3A_0 = arith.muli %arg1, %mul3A : i32
    %add3A = arith.addi %mul3A_0, %arg0 : i32
    %mul3A_1 = arith.constant 512 : i32
    %mul3A_2 = arith.muli %add3A, %mul3A_1 : i32
    %add3A_3 = arith.constant 0 : i32
    %add3A_4 = arith.addi %add3A_3, %mul3A_2 : i32
    "tpu.region"() ({
      %run_scoped3A_84 = tpu.sem_alloc : memref<!tpu.dma_semaphore, #tpu.memory_space<semaphore_mem>>
      %dma_start3A_85 = tpu.memref_slice %arg2[%add3A_4] : memref<49152xi32, #tpu.memory_space<hbm>> -> memref<512xi32, #tpu.memory_space<hbm>>
      %dma_start3A_86 = tpu.memref_slice %arg2[%add3A_4] : memref<49152xi32, #tpu.memory_space<hbm>> -> memref<512xi32, #tpu.memory_space<hbm>>
      tpu.enqueue_dma source(%dma_start3A_86 : memref<512xi32, #tpu.memory_space<hbm>>) target(%arg7 : memref<512xi32, #tpu.memory_space<vmem>>) target_semaphore(%run_scoped3A_84 : memref<!tpu.dma_semaphore, #tpu.memory_space<semaphore_mem>>)
      %dma_wait3A_87 = tpu.memref_slice %arg2[%add3A_4] : memref<49152xi32, #tpu.memory_space<hbm>> -> memref<512xi32, #tpu.memory_space<hbm>>
      %dma_wait3A_88 = tpu.memref_slice %arg2[%add3A_4] : memref<49152xi32, #tpu.memory_space<hbm>> -> memref<512xi32, #tpu.memory_space<hbm>>
      tpu.wait_dma2 semaphore(%run_scoped3A_84 : memref<!tpu.dma_semaphore, #tpu.memory_space<semaphore_mem>>) src(%dma_wait3A_88 : memref<512xi32, #tpu.memory_space<hbm>>) dst(%arg7 : memref<512xi32, #tpu.memory_space<vmem>>)
      tpu.yield
    }) : () -> ()
    %add3A_5 = arith.constant 16384 : i32
    %add3A_6 = arith.addi %add3A_5, %mul3A_2 : i32
    "tpu.region"() ({
      %run_scoped3A_84 = tpu.sem_alloc : memref<!tpu.dma_semaphore, #tpu.memory_space<semaphore_mem>>
      %dma_start3A_85 = tpu.memref_slice %arg2[%add3A_6] : memref<49152xi32, #tpu.memory_space<hbm>> -> memref<512xi32, #tpu.memory_space<hbm>>
      %dma_start3A_86 = tpu.memref_slice %arg2[%add3A_6] : memref<49152xi32, #tpu.memory_space<hbm>> -> memref<512xi32, #tpu.memory_space<hbm>>
      tpu.enqueue_dma source(%dma_start3A_86 : memref<512xi32, #tpu.memory_space<hbm>>) target(%arg8 : memref<512xi32, #tpu.memory_space<vmem>>) target_semaphore(%run_scoped3A_84 : memref<!tpu.dma_semaphore, #tpu.memory_space<semaphore_mem>>)
      %dma_wait3A_87 = tpu.memref_slice %arg2[%add3A_6] : memref<49152xi32, #tpu.memory_space<hbm>> -> memref<512xi32, #tpu.memory_space<hbm>>
      %dma_wait3A_88 = tpu.memref_slice %arg2[%add3A_6] : memref<49152xi32, #tpu.memory_space<hbm>> -> memref<512xi32, #tpu.memory_space<hbm>>
      tpu.wait_dma2 semaphore(%run_scoped3A_84 : memref<!tpu.dma_semaphore, #tpu.memory_space<semaphore_mem>>) src(%dma_wait3A_88 : memref<512xi32, #tpu.memory_space<hbm>>) dst(%arg8 : memref<512xi32, #tpu.memory_space<vmem>>)
      tpu.yield
    }) : () -> ()
    %add3A_7 = arith.constant 32768 : i32
    %add3A_8 = arith.addi %add3A_7, %mul3A_2 : i32
    "tpu.region"() ({
      %run_scoped3A_84 = tpu.sem_alloc : memref<!tpu.dma_semaphore, #tpu.memory_space<semaphore_mem>>
      %dma_start3A_85 = tpu.memref_slice %arg2[%add3A_8] : memref<49152xi32, #tpu.memory_space<hbm>> -> memref<512xi32, #tpu.memory_space<hbm>>
      %dma_start3A_86 = tpu.memref_slice %arg2[%add3A_8] : memref<49152xi32, #tpu.memory_space<hbm>> -> memref<512xi32, #tpu.memory_space<hbm>>
      tpu.enqueue_dma source(%dma_start3A_86 : memref<512xi32, #tpu.memory_space<hbm>>) target(%arg9 : memref<512xi32, #tpu.memory_space<vmem>>) target_semaphore(%run_scoped3A_84 : memref<!tpu.dma_semaphore, #tpu.memory_space<semaphore_mem>>)
      %dma_wait3A_87 = tpu.memref_slice %arg2[%add3A_8] : memref<49152xi32, #tpu.memory_space<hbm>> -> memref<512xi32, #tpu.memory_space<hbm>>
      %dma_wait3A_88 = tpu.memref_slice %arg2[%add3A_8] : memref<49152xi32, #tpu.memory_space<hbm>> -> memref<512xi32, #tpu.memory_space<hbm>>
      tpu.wait_dma2 semaphore(%run_scoped3A_84 : memref<!tpu.dma_semaphore, #tpu.memory_space<semaphore_mem>>) src(%dma_wait3A_88 : memref<512xi32, #tpu.memory_space<hbm>>) dst(%arg9 : memref<512xi32, #tpu.memory_space<vmem>>)
      tpu.yield
    }) : () -> ()
    %dma_start3A = arith.constant 0 : i32
    %dma_start3A_9 = tpu.memref_slice %arg7[%dma_start3A] : memref<512xi32, #tpu.memory_space<vmem>> -> memref<256xi32, #tpu.memory_space<vmem>>
    %dma_start3A_10 = arith.constant 0 : i32
    %dma_start3A_11 = arith.constant 0 : i32
    %dma_start3A_12 = tpu.memref_slice %arg3[%dma_start3A_10, %dma_start3A_11] : memref<500x128xf32, #tpu.memory_space<hbm>> -> memref<500x128xf32, #tpu.memory_space<hbm>>
    tpu.enqueue_indirect_dma source(%dma_start3A_12 : memref<500x128xf32, #tpu.memory_space<hbm>>) target(%arg10 : memref<256x128xf32, #tpu.memory_space<vmem>>) offsets(%dma_start3A_9 : memref<256xi32, #tpu.memory_space<vmem>>) semaphore(%arg12 : memref<!tpu.dma_semaphore, #tpu.memory_space<semaphore_mem>>)
    %add3A_13 = arith.constant 0 : i32
    %add3A_14 = arith.addi %mul3A_2, %add3A_13 : i32
    %dma_start3A_15 = arith.constant 256 : i32
    %dma_start3A_16 = tpu.memref_slice %arg7[%dma_start3A_15] : memref<512xi32, #tpu.memory_space<vmem>> -> memref<256xi32, #tpu.memory_space<vmem>>
    %dma_start3A_17 = arith.constant 0 : i32
    %dma_start3A_18 = arith.constant 0 : i32
    %dma_start3A_19 = tpu.memref_slice %arg3[%dma_start3A_17, %dma_start3A_18] : memref<500x128xf32, #tpu.memory_space<hbm>> -> memref<500x128xf32, #tpu.memory_space<hbm>>
    tpu.enqueue_indirect_dma source(%dma_start3A_19 : memref<500x128xf32, #tpu.memory_space<hbm>>) target(%arg11 : memref<256x128xf32, #tpu.memory_space<vmem>>) offsets(%dma_start3A_16 : memref<256xi32, #tpu.memory_space<vmem>>) semaphore(%arg13 : memref<!tpu.dma_semaphore, #tpu.memory_space<semaphore_mem>>)
    %add3A_20 = arith.constant 256 : i32
    %add3A_21 = arith.addi %mul3A_2, %add3A_20 : i32
    %dma_wait3A = arith.constant 0 : i32
    %dma_wait3A_22 = tpu.memref_slice %arg7[%dma_wait3A] : memref<512xi32, #tpu.memory_space<vmem>> -> memref<256xi32, #tpu.memory_space<vmem>>
    %dma_wait3A_23 = arith.constant 0 : i32
    %dma_wait3A_24 = arith.constant 0 : i32
    %dma_wait3A_25 = tpu.memref_slice %arg3[%dma_wait3A_23, %dma_wait3A_24] : memref<500x128xf32, #tpu.memory_space<hbm>> -> memref<500x128xf32, #tpu.memory_space<hbm>>
    tpu.wait_indirect_dma semaphore(%arg12 : memref<!tpu.dma_semaphore, #tpu.memory_space<semaphore_mem>>) src(%dma_wait3A_25 : memref<500x128xf32, #tpu.memory_space<hbm>>) dst(%arg10 : memref<256x128xf32, #tpu.memory_space<vmem>>)
    %run_scoped3A = arith.constant 0 : i32
    "tpu.region"() ({
      %run_scoped3A_84 = tpu.sem_alloc : memref<!tpu.dma_semaphore, #tpu.memory_space<semaphore_mem>>
      %dma_start3A_85 = arith.constant 0 : i32
      %dma_start3A_86 = tpu.memref_slice %arg6[%run_scoped3A, %add3A_14, %dma_start3A_85] : memref<3x16384x128xf32, #tpu.memory_space<hbm>> -> memref<1x256x128xf32, #tpu.memory_space<hbm>>
      %dma_start3A_87 = tpu.memref_squeeze %dma_start3A_86 : memref<1x256x128xf32, #tpu.memory_space<hbm>> -> memref<256x128xf32, #tpu.memory_space<hbm>>
      %dma_start3A_88 = arith.constant 0 : i32
      %dma_start3A_89 = tpu.memref_slice %arg6[%run_scoped3A, %add3A_14, %dma_start3A_88] : memref<3x16384x128xf32, #tpu.memory_space<hbm>> -> memref<1x256x128xf32, #tpu.memory_space<hbm>>
      %dma_start3A_90 = tpu.memref_squeeze %dma_start3A_89 : memref<1x256x128xf32, #tpu.memory_space<hbm>> -> memref<256x128xf32, #tpu.memory_space<hbm>>
      tpu.enqueue_dma source(%arg10 : memref<256x128xf32, #tpu.memory_space<vmem>>) target(%dma_start3A_90 : memref<256x128xf32, #tpu.memory_space<hbm>>) target_semaphore(%run_scoped3A_84 : memref<!tpu.dma_semaphore, #tpu.memory_space<semaphore_mem>>)
      %dma_wait3A_91 = arith.constant 0 : i32
      %dma_wait3A_92 = tpu.memref_slice %arg6[%run_scoped3A, %add3A_14, %dma_wait3A_91] : memref<3x16384x128xf32, #tpu.memory_space<hbm>> -> memref<1x256x128xf32, #tpu.memory_space<hbm>>
      %dma_wait3A_93 = tpu.memref_squeeze %dma_wait3A_92 : memref<1x256x128xf32, #tpu.memory_space<hbm>> -> memref<256x128xf32, #tpu.memory_space<hbm>>
      %dma_wait3A_94 = arith.constant 0 : i32
      %dma_wait3A_95 = tpu.memref_slice %arg6[%run_scoped3A, %add3A_14, %dma_wait3A_94] : memref<3x16384x128xf32, #tpu.memory_space<hbm>> -> memref<1x256x128xf32, #tpu.memory_space<hbm>>
      %dma_wait3A_96 = tpu.memref_squeeze %dma_wait3A_95 : memref<1x256x128xf32, #tpu.memory_space<hbm>> -> memref<256x128xf32, #tpu.memory_space<hbm>>
      tpu.wait_dma2 semaphore(%run_scoped3A_84 : memref<!tpu.dma_semaphore, #tpu.memory_space<semaphore_mem>>) src(%arg10 : memref<256x128xf32, #tpu.memory_space<vmem>>) dst(%dma_wait3A_96 : memref<256x128xf32, #tpu.memory_space<hbm>>)
      tpu.yield
    }) : () -> ()
    %dma_start3A_26 = arith.constant 0 : i32
    %dma_start3A_27 = tpu.memref_slice %arg8[%dma_start3A_26] : memref<512xi32, #tpu.memory_space<vmem>> -> memref<256xi32, #tpu.memory_space<vmem>>
    %dma_start3A_28 = arith.constant 0 : i32
    %dma_start3A_29 = arith.constant 0 : i32
    %dma_start3A_30 = tpu.memref_slice %arg4[%dma_start3A_28, %dma_start3A_29] : memref<500x128xf32, #tpu.memory_space<hbm>> -> memref<500x128xf32, #tpu.memory_space<hbm>>
    tpu.enqueue_indirect_dma source(%dma_start3A_30 : memref<500x128xf32, #tpu.memory_space<hbm>>) target(%arg10 : memref<256x128xf32, #tpu.memory_space<vmem>>) offsets(%dma_start3A_27 : memref<256xi32, #tpu.memory_space<vmem>>) semaphore(%arg12 : memref<!tpu.dma_semaphore, #tpu.memory_space<semaphore_mem>>)
    %add3A_31 = arith.constant 0 : i32
    %add3A_32 = arith.addi %mul3A_2, %add3A_31 : i32
    %dma_wait3A_33 = arith.constant 256 : i32
    %dma_wait3A_34 = tpu.memref_slice %arg7[%dma_wait3A_33] : memref<512xi32, #tpu.memory_space<vmem>> -> memref<256xi32, #tpu.memory_space<vmem>>
    %dma_wait3A_35 = arith.constant 0 : i32
    %dma_wait3A_36 = arith.constant 0 : i32
    %dma_wait3A_37 = tpu.memref_slice %arg3[%dma_wait3A_35, %dma_wait3A_36] : memref<500x128xf32, #tpu.memory_space<hbm>> -> memref<500x128xf32, #tpu.memory_space<hbm>>
    tpu.wait_indirect_dma semaphore(%arg13 : memref<!tpu.dma_semaphore, #tpu.memory_space<semaphore_mem>>) src(%dma_wait3A_37 : memref<500x128xf32, #tpu.memory_space<hbm>>) dst(%arg11 : memref<256x128xf32, #tpu.memory_space<vmem>>)
    %run_scoped3A_38 = arith.constant 0 : i32
    "tpu.region"() ({
      %run_scoped3A_84 = tpu.sem_alloc : memref<!tpu.dma_semaphore, #tpu.memory_space<semaphore_mem>>
      %dma_start3A_85 = arith.constant 0 : i32
      %dma_start3A_86 = tpu.memref_slice %arg6[%run_scoped3A_38, %add3A_21, %dma_start3A_85] : memref<3x16384x128xf32, #tpu.memory_space<hbm>> -> memref<1x256x128xf32, #tpu.memory_space<hbm>>
      %dma_start3A_87 = tpu.memref_squeeze %dma_start3A_86 : memref<1x256x128xf32, #tpu.memory_space<hbm>> -> memref<256x128xf32, #tpu.memory_space<hbm>>
      %dma_start3A_88 = arith.constant 0 : i32
      %dma_start3A_89 = tpu.memref_slice %arg6[%run_scoped3A_38, %add3A_21, %dma_start3A_88] : memref<3x16384x128xf32, #tpu.memory_space<hbm>> -> memref<1x256x128xf32, #tpu.memory_space<hbm>>
      %dma_start3A_90 = tpu.memref_squeeze %dma_start3A_89 : memref<1x256x128xf32, #tpu.memory_space<hbm>> -> memref<256x128xf32, #tpu.memory_space<hbm>>
      tpu.enqueue_dma source(%arg11 : memref<256x128xf32, #tpu.memory_space<vmem>>) target(%dma_start3A_90 : memref<256x128xf32, #tpu.memory_space<hbm>>) target_semaphore(%run_scoped3A_84 : memref<!tpu.dma_semaphore, #tpu.memory_space<semaphore_mem>>)
      %dma_wait3A_91 = arith.constant 0 : i32
      %dma_wait3A_92 = tpu.memref_slice %arg6[%run_scoped3A_38, %add3A_21, %dma_wait3A_91] : memref<3x16384x128xf32, #tpu.memory_space<hbm>> -> memref<1x256x128xf32, #tpu.memory_space<hbm>>
      %dma_wait3A_93 = tpu.memref_squeeze %dma_wait3A_92 : memref<1x256x128xf32, #tpu.memory_space<hbm>> -> memref<256x128xf32, #tpu.memory_space<hbm>>
      %dma_wait3A_94 = arith.constant 0 : i32
      %dma_wait3A_95 = tpu.memref_slice %arg6[%run_scoped3A_38, %add3A_21, %dma_wait3A_94] : memref<3x16384x128xf32, #tpu.memory_space<hbm>> -> memref<1x256x128xf32, #tpu.memory_space<hbm>>
      %dma_wait3A_96 = tpu.memref_squeeze %dma_wait3A_95 : memref<1x256x128xf32, #tpu.memory_space<hbm>> -> memref<256x128xf32, #tpu.memory_space<hbm>>
      tpu.wait_dma2 semaphore(%run_scoped3A_84 : memref<!tpu.dma_semaphore, #tpu.memory_space<semaphore_mem>>) src(%arg11 : memref<256x128xf32, #tpu.memory_space<vmem>>) dst(%dma_wait3A_96 : memref<256x128xf32, #tpu.memory_space<hbm>>)
      tpu.yield
    }) : () -> ()
    %dma_start3A_39 = arith.constant 256 : i32
    %dma_start3A_40 = tpu.memref_slice %arg8[%dma_start3A_39] : memref<512xi32, #tpu.memory_space<vmem>> -> memref<256xi32, #tpu.memory_space<vmem>>
    %dma_start3A_41 = arith.constant 0 : i32
    %dma_start3A_42 = arith.constant 0 : i32
    %dma_start3A_43 = tpu.memref_slice %arg4[%dma_start3A_41, %dma_start3A_42] : memref<500x128xf32, #tpu.memory_space<hbm>> -> memref<500x128xf32, #tpu.memory_space<hbm>>
    tpu.enqueue_indirect_dma source(%dma_start3A_43 : memref<500x128xf32, #tpu.memory_space<hbm>>) target(%arg11 : memref<256x128xf32, #tpu.memory_space<vmem>>) offsets(%dma_start3A_40 : memref<256xi32, #tpu.memory_space<vmem>>) semaphore(%arg13 : memref<!tpu.dma_semaphore, #tpu.memory_space<semaphore_mem>>)
    %add3A_44 = arith.constant 256 : i32
    %add3A_45 = arith.addi %mul3A_2, %add3A_44 : i32
    %dma_wait3A_46 = arith.constant 0 : i32
    %dma_wait3A_47 = tpu.memref_slice %arg8[%dma_wait3A_46] : memref<512xi32, #tpu.memory_space<vmem>> -> memref<256xi32, #tpu.memory_space<vmem>>
    %dma_wait3A_48 = arith.constant 0 : i32
    %dma_wait3A_49 = arith.constant 0 : i32
    %dma_wait3A_50 = tpu.memref_slice %arg4[%dma_wait3A_48, %dma_wait3A_49] : memref<500x128xf32, #tpu.memory_space<hbm>> -> memref<500x128xf32, #tpu.memory_space<hbm>>
    tpu.wait_indirect_dma semaphore(%arg12 : memref<!tpu.dma_semaphore, #tpu.memory_space<semaphore_mem>>) src(%dma_wait3A_50 : memref<500x128xf32, #tpu.memory_space<hbm>>) dst(%arg10 : memref<256x128xf32, #tpu.memory_space<vmem>>)
    %run_scoped3A_51 = arith.constant 1 : i32
    "tpu.region"() ({
      %run_scoped3A_84 = tpu.sem_alloc : memref<!tpu.dma_semaphore, #tpu.memory_space<semaphore_mem>>
      %dma_start3A_85 = arith.constant 0 : i32
      %dma_start3A_86 = tpu.memref_slice %arg6[%run_scoped3A_51, %add3A_32, %dma_start3A_85] : memref<3x16384x128xf32, #tpu.memory_space<hbm>> -> memref<1x256x128xf32, #tpu.memory_space<hbm>>
      %dma_start3A_87 = tpu.memref_squeeze %dma_start3A_86 : memref<1x256x128xf32, #tpu.memory_space<hbm>> -> memref<256x128xf32, #tpu.memory_space<hbm>>
      %dma_start3A_88 = arith.constant 0 : i32
      %dma_start3A_89 = tpu.memref_slice %arg6[%run_scoped3A_51, %add3A_32, %dma_start3A_88] : memref<3x16384x128xf32, #tpu.memory_space<hbm>> -> memref<1x256x128xf32, #tpu.memory_space<hbm>>
      %dma_start3A_90 = tpu.memref_squeeze %dma_start3A_89 : memref<1x256x128xf32, #tpu.memory_space<hbm>> -> memref<256x128xf32, #tpu.memory_space<hbm>>
      tpu.enqueue_dma source(%arg10 : memref<256x128xf32, #tpu.memory_space<vmem>>) target(%dma_start3A_90 : memref<256x128xf32, #tpu.memory_space<hbm>>) target_semaphore(%run_scoped3A_84 : memref<!tpu.dma_semaphore, #tpu.memory_space<semaphore_mem>>)
      %dma_wait3A_91 = arith.constant 0 : i32
      %dma_wait3A_92 = tpu.memref_slice %arg6[%run_scoped3A_51, %add3A_32, %dma_wait3A_91] : memref<3x16384x128xf32, #tpu.memory_space<hbm>> -> memref<1x256x128xf32, #tpu.memory_space<hbm>>
      %dma_wait3A_93 = tpu.memref_squeeze %dma_wait3A_92 : memref<1x256x128xf32, #tpu.memory_space<hbm>> -> memref<256x128xf32, #tpu.memory_space<hbm>>
      %dma_wait3A_94 = arith.constant 0 : i32
      %dma_wait3A_95 = tpu.memref_slice %arg6[%run_scoped3A_51, %add3A_32, %dma_wait3A_94] : memref<3x16384x128xf32, #tpu.memory_space<hbm>> -> memref<1x256x128xf32, #tpu.memory_space<hbm>>
      %dma_wait3A_96 = tpu.memref_squeeze %dma_wait3A_95 : memref<1x256x128xf32, #tpu.memory_space<hbm>> -> memref<256x128xf32, #tpu.memory_space<hbm>>
      tpu.wait_dma2 semaphore(%run_scoped3A_84 : memref<!tpu.dma_semaphore, #tpu.memory_space<semaphore_mem>>) src(%arg10 : memref<256x128xf32, #tpu.memory_space<vmem>>) dst(%dma_wait3A_96 : memref<256x128xf32, #tpu.memory_space<hbm>>)
      tpu.yield
    }) : () -> ()
    %dma_start3A_52 = arith.constant 0 : i32
    %dma_start3A_53 = tpu.memref_slice %arg9[%dma_start3A_52] : memref<512xi32, #tpu.memory_space<vmem>> -> memref<256xi32, #tpu.memory_space<vmem>>
    %dma_start3A_54 = arith.constant 0 : i32
    %dma_start3A_55 = arith.constant 0 : i32
    %dma_start3A_56 = tpu.memref_slice %arg5[%dma_start3A_54, %dma_start3A_55] : memref<500x128xf32, #tpu.memory_space<hbm>> -> memref<500x128xf32, #tpu.memory_space<hbm>>
    tpu.enqueue_indirect_dma source(%dma_start3A_56 : memref<500x128xf32, #tpu.memory_space<hbm>>) target(%arg10 : memref<256x128xf32, #tpu.memory_space<vmem>>) offsets(%dma_start3A_53 : memref<256xi32, #tpu.memory_space<vmem>>) semaphore(%arg12 : memref<!tpu.dma_semaphore, #tpu.memory_space<semaphore_mem>>)
    %add3A_57 = arith.constant 0 : i32
    %add3A_58 = arith.addi %mul3A_2, %add3A_57 : i32
    %dma_wait3A_59 = arith.constant 256 : i32
    %dma_wait3A_60 = tpu.memref_slice %arg8[%dma_wait3A_59] : memref<512xi32, #tpu.memory_space<vmem>> -> memref<256xi32, #tpu.memory_space<vmem>>
    %dma_wait3A_61 = arith.constant 0 : i32
    %dma_wait3A_62 = arith.constant 0 : i32
    %dma_wait3A_63 = tpu.memref_slice %arg4[%dma_wait3A_61, %dma_wait3A_62] : memref<500x128xf32, #tpu.memory_space<hbm>> -> memref<500x128xf32, #tpu.memory_space<hbm>>
    tpu.wait_indirect_dma semaphore(%arg13 : memref<!tpu.dma_semaphore, #tpu.memory_space<semaphore_mem>>) src(%dma_wait3A_63 : memref<500x128xf32, #tpu.memory_space<hbm>>) dst(%arg11 : memref<256x128xf32, #tpu.memory_space<vmem>>)
    %run_scoped3A_64 = arith.constant 1 : i32
    "tpu.region"() ({
      %run_scoped3A_84 = tpu.sem_alloc : memref<!tpu.dma_semaphore, #tpu.memory_space<semaphore_mem>>
      %dma_start3A_85 = arith.constant 0 : i32
      %dma_start3A_86 = tpu.memref_slice %arg6[%run_scoped3A_64, %add3A_45, %dma_start3A_85] : memref<3x16384x128xf32, #tpu.memory_space<hbm>> -> memref<1x256x128xf32, #tpu.memory_space<hbm>>
      %dma_start3A_87 = tpu.memref_squeeze %dma_start3A_86 : memref<1x256x128xf32, #tpu.memory_space<hbm>> -> memref<256x128xf32, #tpu.memory_space<hbm>>
      %dma_start3A_88 = arith.constant 0 : i32
      %dma_start3A_89 = tpu.memref_slice %arg6[%run_scoped3A_64, %add3A_45, %dma_start3A_88] : memref<3x16384x128xf32, #tpu.memory_space<hbm>> -> memref<1x256x128xf32, #tpu.memory_space<hbm>>
      %dma_start3A_90 = tpu.memref_squeeze %dma_start3A_89 : memref<1x256x128xf32, #tpu.memory_space<hbm>> -> memref<256x128xf32, #tpu.memory_space<hbm>>
      tpu.enqueue_dma source(%arg11 : memref<256x128xf32, #tpu.memory_space<vmem>>) target(%dma_start3A_90 : memref<256x128xf32, #tpu.memory_space<hbm>>) target_semaphore(%run_scoped3A_84 : memref<!tpu.dma_semaphore, #tpu.memory_space<semaphore_mem>>)
      %dma_wait3A_91 = arith.constant 0 : i32
      %dma_wait3A_92 = tpu.memref_slice %arg6[%run_scoped3A_64, %add3A_45, %dma_wait3A_91] : memref<3x16384x128xf32, #tpu.memory_space<hbm>> -> memref<1x256x128xf32, #tpu.memory_space<hbm>>
      %dma_wait3A_93 = tpu.memref_squeeze %dma_wait3A_92 : memref<1x256x128xf32, #tpu.memory_space<hbm>> -> memref<256x128xf32, #tpu.memory_space<hbm>>
      %dma_wait3A_94 = arith.constant 0 : i32
      %dma_wait3A_95 = tpu.memref_slice %arg6[%run_scoped3A_64, %add3A_45, %dma_wait3A_94] : memref<3x16384x128xf32, #tpu.memory_space<hbm>> -> memref<1x256x128xf32, #tpu.memory_space<hbm>>
      %dma_wait3A_96 = tpu.memref_squeeze %dma_wait3A_95 : memref<1x256x128xf32, #tpu.memory_space<hbm>> -> memref<256x128xf32, #tpu.memory_space<hbm>>
      tpu.wait_dma2 semaphore(%run_scoped3A_84 : memref<!tpu.dma_semaphore, #tpu.memory_space<semaphore_mem>>) src(%arg11 : memref<256x128xf32, #tpu.memory_space<vmem>>) dst(%dma_wait3A_96 : memref<256x128xf32, #tpu.memory_space<hbm>>)
      tpu.yield
    }) : () -> ()
    %dma_start3A_65 = arith.constant 256 : i32
    %dma_start3A_66 = tpu.memref_slice %arg9[%dma_start3A_65] : memref<512xi32, #tpu.memory_space<vmem>> -> memref<256xi32, #tpu.memory_space<vmem>>
    %dma_start3A_67 = arith.constant 0 : i32
    %dma_start3A_68 = arith.constant 0 : i32
    %dma_start3A_69 = tpu.memref_slice %arg5[%dma_start3A_67, %dma_start3A_68] : memref<500x128xf32, #tpu.memory_space<hbm>> -> memref<500x128xf32, #tpu.memory_space<hbm>>
    tpu.enqueue_indirect_dma source(%dma_start3A_69 : memref<500x128xf32, #tpu.memory_space<hbm>>) target(%arg11 : memref<256x128xf32, #tpu.memory_space<vmem>>) offsets(%dma_start3A_66 : memref<256xi32, #tpu.memory_space<vmem>>) semaphore(%arg13 : memref<!tpu.dma_semaphore, #tpu.memory_space<semaphore_mem>>)
    %add3A_70 = arith.constant 256 : i32
    %add3A_71 = arith.addi %mul3A_2, %add3A_70 : i32
    %dma_wait3A_72 = arith.constant 0 : i32
    %dma_wait3A_73 = tpu.memref_slice %arg9[%dma_wait3A_72] : memref<512xi32, #tpu.memory_space<vmem>> -> memref<256xi32, #tpu.memory_space<vmem>>
    %dma_wait3A_74 = arith.constant 0 : i32
    %dma_wait3A_75 = arith.constant 0 : i32
    %dma_wait3A_76 = tpu.memref_slice %arg5[%dma_wait3A_74, %dma_wait3A_75] : memref<500x128xf32, #tpu.memory_space<hbm>> -> memref<500x128xf32, #tpu.memory_space<hbm>>
    tpu.wait_indirect_dma semaphore(%arg12 : memref<!tpu.dma_semaphore, #tpu.memory_space<semaphore_mem>>) src(%dma_wait3A_76 : memref<500x128xf32, #tpu.memory_space<hbm>>) dst(%arg10 : memref<256x128xf32, #tpu.memory_space<vmem>>)
    %run_scoped3A_77 = arith.constant 2 : i32
    "tpu.region"() ({
      %run_scoped3A_84 = tpu.sem_alloc : memref<!tpu.dma_semaphore, #tpu.memory_space<semaphore_mem>>
      %dma_start3A_85 = arith.constant 0 : i32
      %dma_start3A_86 = tpu.memref_slice %arg6[%run_scoped3A_77, %add3A_58, %dma_start3A_85] : memref<3x16384x128xf32, #tpu.memory_space<hbm>> -> memref<1x256x128xf32, #tpu.memory_space<hbm>>
      %dma_start3A_87 = tpu.memref_squeeze %dma_start3A_86 : memref<1x256x128xf32, #tpu.memory_space<hbm>> -> memref<256x128xf32, #tpu.memory_space<hbm>>
      %dma_start3A_88 = arith.constant 0 : i32
      %dma_start3A_89 = tpu.memref_slice %arg6[%run_scoped3A_77, %add3A_58, %dma_start3A_88] : memref<3x16384x128xf32, #tpu.memory_space<hbm>> -> memref<1x256x128xf32, #tpu.memory_space<hbm>>
      %dma_start3A_90 = tpu.memref_squeeze %dma_start3A_89 : memref<1x256x128xf32, #tpu.memory_space<hbm>> -> memref<256x128xf32, #tpu.memory_space<hbm>>
      tpu.enqueue_dma source(%arg10 : memref<256x128xf32, #tpu.memory_space<vmem>>) target(%dma_start3A_90 : memref<256x128xf32, #tpu.memory_space<hbm>>) target_semaphore(%run_scoped3A_84 : memref<!tpu.dma_semaphore, #tpu.memory_space<semaphore_mem>>)
      %dma_wait3A_91 = arith.constant 0 : i32
      %dma_wait3A_92 = tpu.memref_slice %arg6[%run_scoped3A_77, %add3A_58, %dma_wait3A_91] : memref<3x16384x128xf32, #tpu.memory_space<hbm>> -> memref<1x256x128xf32, #tpu.memory_space<hbm>>
      %dma_wait3A_93 = tpu.memref_squeeze %dma_wait3A_92 : memref<1x256x128xf32, #tpu.memory_space<hbm>> -> memref<256x128xf32, #tpu.memory_space<hbm>>
      %dma_wait3A_94 = arith.constant 0 : i32
      %dma_wait3A_95 = tpu.memref_slice %arg6[%run_scoped3A_77, %add3A_58, %dma_wait3A_94] : memref<3x16384x128xf32, #tpu.memory_space<hbm>> -> memref<1x256x128xf32, #tpu.memory_space<hbm>>
      %dma_wait3A_96 = tpu.memref_squeeze %dma_wait3A_95 : memref<1x256x128xf32, #tpu.memory_space<hbm>> -> memref<256x128xf32, #tpu.memory_space<hbm>>
      tpu.wait_dma2 semaphore(%run_scoped3A_84 : memref<!tpu.dma_semaphore, #tpu.memory_space<semaphore_mem>>) src(%arg10 : memref<256x128xf32, #tpu.memory_space<vmem>>) dst(%dma_wait3A_96 : memref<256x128xf32, #tpu.memory_space<hbm>>)
      tpu.yield
    }) : () -> ()
    %dma_wait3A_78 = arith.constant 256 : i32
    %dma_wait3A_79 = tpu.memref_slice %arg9[%dma_wait3A_78] : memref<512xi32, #tpu.memory_space<vmem>> -> memref<256xi32, #tpu.memory_space<vmem>>
    %dma_wait3A_80 = arith.constant 0 : i32
    %dma_wait3A_81 = arith.constant 0 : i32
    %dma_wait3A_82 = tpu.memref_slice %arg5[%dma_wait3A_80, %dma_wait3A_81] : memref<500x128xf32, #tpu.memory_space<hbm>> -> memref<500x128xf32, #tpu.memory_space<hbm>>
    tpu.wait_indirect_dma semaphore(%arg13 : memref<!tpu.dma_semaphore, #tpu.memory_space<semaphore_mem>>) src(%dma_wait3A_82 : memref<500x128xf32, #tpu.memory_space<hbm>>) dst(%arg11 : memref<256x128xf32, #tpu.memory_space<vmem>>)
    %run_scoped3A_83 = arith.constant 2 : i32
    "tpu.region"() ({
      %run_scoped3A_84 = tpu.sem_alloc : memref<!tpu.dma_semaphore, #tpu.memory_space<semaphore_mem>>
      %dma_start3A_85 = arith.constant 0 : i32
      %dma_start3A_86 = tpu.memref_slice %arg6[%run_scoped3A_83, %add3A_71, %dma_start3A_85] : memref<3x16384x128xf32, #tpu.memory_space<hbm>> -> memref<1x256x128xf32, #tpu.memory_space<hbm>>
      %dma_start3A_87 = tpu.memref_squeeze %dma_start3A_86 : memref<1x256x128xf32, #tpu.memory_space<hbm>> -> memref<256x128xf32, #tpu.memory_space<hbm>>
      %dma_start3A_88 = arith.constant 0 : i32
      %dma_start3A_89 = tpu.memref_slice %arg6[%run_scoped3A_83, %add3A_71, %dma_start3A_88] : memref<3x16384x128xf32, #tpu.memory_space<hbm>> -> memref<1x256x128xf32, #tpu.memory_space<hbm>>
      %dma_start3A_90 = tpu.memref_squeeze %dma_start3A_89 : memref<1x256x128xf32, #tpu.memory_space<hbm>> -> memref<256x128xf32, #tpu.memory_space<hbm>>
      tpu.enqueue_dma source(%arg11 : memref<256x128xf32, #tpu.memory_space<vmem>>) target(%dma_start3A_90 : memref<256x128xf32, #tpu.memory_space<hbm>>) target_semaphore(%run_scoped3A_84 : memref<!tpu.dma_semaphore, #tpu.memory_space<semaphore_mem>>)
      %dma_wait3A_91 = arith.constant 0 : i32
      %dma_wait3A_92 = tpu.memref_slice %arg6[%run_scoped3A_83, %add3A_71, %dma_wait3A_91] : memref<3x16384x128xf32, #tpu.memory_space<hbm>> -> memref<1x256x128xf32, #tpu.memory_space<hbm>>
      %dma_wait3A_93 = tpu.memref_squeeze %dma_wait3A_92 : memref<1x256x128xf32, #tpu.memory_space<hbm>> -> memref<256x128xf32, #tpu.memory_space<hbm>>
      %dma_wait3A_94 = arith.constant 0 : i32
      %dma_wait3A_95 = tpu.memref_slice %arg6[%run_scoped3A_83, %add3A_71, %dma_wait3A_94] : memref<3x16384x128xf32, #tpu.memory_space<hbm>> -> memref<1x256x128xf32, #tpu.memory_space<hbm>>
      %dma_wait3A_96 = tpu.memref_squeeze %dma_wait3A_95 : memref<1x256x128xf32, #tpu.memory_space<hbm>> -> memref<256x128xf32, #tpu.memory_space<hbm>>
      tpu.wait_dma2 semaphore(%run_scoped3A_84 : memref<!tpu.dma_semaphore, #tpu.memory_space<semaphore_mem>>) src(%arg11 : memref<256x128xf32, #tpu.memory_space<vmem>>) dst(%dma_wait3A_96 : memref<256x128xf32, #tpu.memory_space<hbm>>)
      tpu.yield
    }) : () -> ()
    return
  }
}

module attributes {stable_mosaic.version = 14 : i64} {
  func.func @_tr_body(%arg0: i32, %arg1: memref<64x32768xf32, #tpu.memory_space<vmem>>, %arg2: memref<64x32768xf32, #tpu.memory_space<vmem>>, %arg3: memref<16384x128xf32, #tpu.memory_space<vmem>>) attributes {dimension_semantics = [#tpu.dimension_semantics<arbitrary>], iteration_bounds = array<i64: 16>, scalar_prefetch = 0 : i64, scratch_operands = 0 : i64, tpu.core_type = #tpu.core_type<tc>, window_params = [{transform_indices = @transform_0, window_bounds = array<i64: 64, 32768>}, {transform_indices = @transform_1, window_bounds = array<i64: 64, 32768>}, {transform_indices = @transform_2, window_bounds = array<i64: 16384, 128>}]} {
    %get3A = arith.constant 0 : index
    %get3A_0 = arith.constant 0 : index
    %get3A_1 = vector.load %arg1[%get3A, %get3A_0] : memref<64x32768xf32, #tpu.memory_space<vmem>>, vector<64x32768xf32>
    %transpose3A = tpu.transpose %get3A_1, [1, 0] : vector<64x32768xf32> -> vector<32768x64xf32>
    %convert_element_type3A = arith.truncf %transpose3A : vector<32768x64xf32> to vector<32768x64xbf16>
    %get3A_2 = arith.constant 0 : index
    %get3A_3 = arith.constant 0 : index
    %get3A_4 = vector.load %arg2[%get3A_2, %get3A_3] : memref<64x32768xf32, #tpu.memory_space<vmem>>, vector<64x32768xf32>
    %transpose3A_5 = tpu.transpose %get3A_4, [1, 0] : vector<64x32768xf32> -> vector<32768x64xf32>
    %convert_element_type3A_6 = arith.truncf %transpose3A_5 : vector<32768x64xf32> to vector<32768x64xbf16>
    %bitcast3A = tpu.bitcast %convert_element_type3A : vector<32768x64xbf16> -> vector<16384x64xf32>
    %bitcast3A_7 = tpu.bitcast %convert_element_type3A_6 : vector<32768x64xbf16> -> vector<16384x64xf32>
    %concatenate3A = tpu.concatenate %bitcast3A, %bitcast3A_7 in 1 : vector<16384x64xf32>, vector<16384x64xf32> -> vector<16384x128xf32>
    %swap3A = arith.constant 0 : index
    %swap3A_8 = arith.constant 0 : index
    %swap3A_9 = vector.load %arg3[%swap3A, %swap3A_8] : memref<16384x128xf32, #tpu.memory_space<vmem>>, vector<16384x128xf32>
    tpu.vector_store %arg3[%swap3A, %swap3A_8], %concatenate3A {strides = array<i32>} : memref<16384x128xf32, #tpu.memory_space<vmem>>, vector<16384x128xf32>,
    return
  }
  func.func @transform_0(%arg0: i32) -> (i32, i32) {
    %c0_i32 = arith.constant 0 : i32
    %c0_i32_0 = arith.constant 0 : i32
    return %c0_i32, %arg0 : i32, i32
  }
  func.func @transform_1(%arg0: i32) -> (i32, i32) {
    %add3A = arith.constant 16 : i32
    %add3A_0 = arith.addi %arg0, %add3A : i32
    %min3A = arith.constant 30 : i32
    %min3A_1 = arith.minsi %add3A_0, %min3A : i32
    %c0_i32 = arith.constant 0 : i32
    %c0_i32_2 = arith.constant 0 : i32
    return %c0_i32, %min3A_1 : i32, i32
  }
  func.func @transform_2(%arg0: i32) -> (i32, i32) {
    %c0_i32 = arith.constant 0 : i32
    %c0_i32_0 = arith.constant 0 : i32
    return %arg0, %c0_i32 : i32, i32
  }
}

module attributes {stable_mosaic.version = 14 : i64} {
  func.func @_mlp_body(%arg0: i32, %arg1: memref<2048x128xf32, #tpu.memory_space<vmem>>, %arg2: memref<3x2048x128xf32, #tpu.memory_space<vmem>>, %arg3: memref<5x2048xi32, #tpu.memory_space<vmem>>, %arg4: memref<256x128xf32, #tpu.memory_space<vmem>>, %arg5: memref<1x128xf32, #tpu.memory_space<vmem>>, %arg6: memref<128x64xf32, #tpu.memory_space<vmem>>, %arg7: memref<1x64xf32, #tpu.memory_space<vmem>>, %arg8: memref<2048x64xf32, #tpu.memory_space<vmem>>) attributes {dimension_semantics = [#tpu.dimension_semantics<arbitrary>], iteration_bounds = array<i64: 8>, scalar_prefetch = 0 : i64, scratch_operands = 0 : i64, tpu.core_type = #tpu.core_type<tc>, window_params = [{transform_indices = @transform_0, window_bounds = array<i64: 2048, 128>}, {transform_indices = @transform_1, window_bounds = array<i64: 3, 2048, 128>}, {transform_indices = @transform_2, window_bounds = array<i64: 5, 2048>}, {pipeline_mode = #tpu.pipeline_mode<synchronous>, transform_indices = @transform_3, window_bounds = array<i64: 256, 128>}, {pipeline_mode = #tpu.pipeline_mode<synchronous>, transform_indices = @transform_4, window_bounds = array<i64: 1, 128>}, {pipeline_mode = #tpu.pipeline_mode<synchronous>, transform_indices = @transform_5, window_bounds = array<i64: 128, 64>}, {pipeline_mode = #tpu.pipeline_mode<synchronous>, transform_indices = @transform_6, window_bounds = array<i64: 1, 64>}, {transform_indices = @transform_7, window_bounds = array<i64: 2048, 64>}]} {
    %get3A = arith.constant 0 : index
    %get3A_0 = arith.constant 0 : index
    %get3A_1 = vector.load %arg1[%get3A, %get3A_0] : memref<2048x128xf32, #tpu.memory_space<vmem>>, vector<2048x128xf32>
    %get3A_2 = arith.constant 0 : index
    %get3A_3 = arith.constant 0 : index
    %get3A_4 = vector.load %arg3[%get3A_2, %get3A_3] : memref<5x2048xi32, #tpu.memory_space<vmem>>, vector<1x2048xi32>
    %get3A_5 = vector.shape_cast %get3A_4 : vector<1x2048xi32> to vector<2048xi32>
    %broadcast_in_dim3A = vector.shape_cast %get3A_5 : vector<2048xi32> to vector<2048x1xi32>
    %eq3A = arith.constant 1 : i32
    %eq3A_6 = vector.broadcast %eq3A : i32 to vector<2048x1xi32>
    %eq3A_7 = arith.cmpi eq, %broadcast_in_dim3A, %eq3A_6 : vector<2048x1xi32>
    %slice3A = vector.extract_strided_slice %get3A_1 {offsets = [0, 64], sizes = [2048, 64], strides = [1, 1]} : vector<2048x128xf32> to vector<2048x64xf32>
    %slice3A_8 = vector.extract_strided_slice %get3A_1 {offsets = [0, 0], sizes = [2048, 64], strides = [1, 1]} : vector<2048x128xf32> to vector<2048x64xf32>
    %broadcast_in_dim3A_9 = vector.shape_cast %eq3A_7 : vector<2048x1xi1> to vector<2048x1xi1>
    %broadcast_in_dim3A_10 = vector.broadcast %broadcast_in_dim3A_9 : vector<2048x1xi1> to vector<2048x64xi1>
    %select_n3A = arith.select %broadcast_in_dim3A_10, %slice3A, %slice3A_8 : vector<2048x64xi1>, vector<2048x64xf32>
    %bitcast_convert_type3A = tpu.bitcast %select_n3A : vector<2048x64xf32> -> vector<2048x64xi32>
    %get3A_11 = arith.constant 1 : index
    %get3A_12 = arith.constant 0 : index
    %get3A_13 = vector.load %arg3[%get3A_11, %get3A_12] : memref<5x2048xi32, #tpu.memory_space<vmem>>, vector<1x2048xi32>
    %get3A_14 = vector.shape_cast %get3A_13 : vector<1x2048xi32> to vector<2048xi32>
    %broadcast_in_dim3A_15 = vector.shape_cast %get3A_14 : vector<2048xi32> to vector<2048x1xi32>
    %eq3A_16 = arith.constant 1 : i32
    %eq3A_17 = vector.broadcast %eq3A_16 : i32 to vector<2048x1xi32>
    %eq3A_18 = arith.cmpi eq, %broadcast_in_dim3A_15, %eq3A_17 : vector<2048x1xi32>
    %and3A = arith.constant -65536 : i32
    %and3A_19 = vector.broadcast %and3A : i32 to vector<2048x64xi32>
    %and3A_20 = arith.andi %bitcast_convert_type3A, %and3A_19 : vector<2048x64xi32>
    %shift_left3A = arith.constant 16 : i32
    %shift_left3A_21 = vector.broadcast %shift_left3A : i32 to vector<2048x64xi32>
    %shift_left3A_22 = arith.shli %bitcast_convert_type3A, %shift_left3A_21 : vector<2048x64xi32>
    %broadcast_in_dim3A_23 = vector.shape_cast %eq3A_18 : vector<2048x1xi1> to vector<2048x1xi1>
    %broadcast_in_dim3A_24 = vector.broadcast %broadcast_in_dim3A_23 : vector<2048x1xi1> to vector<2048x64xi1>
    %select_n3A_25 = arith.select %broadcast_in_dim3A_24, %and3A_20, %shift_left3A_22 : vector<2048x64xi1>, vector<2048x64xi32>
    %bitcast_convert_type3A_26 = tpu.bitcast %select_n3A_25 : vector<2048x64xi32> -> vector<2048x64xf32>
    %get3A_27 = arith.constant 0 : index
    %get3A_28 = arith.constant 0 : index
    %get3A_29 = vector.load %arg4[%get3A_27, %get3A_28] : memref<256x128xf32, #tpu.memory_space<vmem>>, vector<64x128xf32>
    %dot_general3A = arith.constant dense<0.000000e+00> : vector<2048x128xf32>
    %dot_general3A_30 = tpu.matmul %bitcast_convert_type3A_26, %get3A_29, %dot_general3A {dimension_numbers = #tpu.dot_dimension_numbers<[1], [0], [0], [1], [0, 0, 1, 1], [], []>, transpose_lhs_hint = false} : vector<2048x64xf32>, vector<64x128xf32>, vector<2048x128xf32> -> vector<2048x128xf32>
    %get3A_31 = arith.constant 0 : index
    %get3A_32 = arith.constant 0 : index
    %get3A_33 = arith.constant 0 : index
    %get3A_34 = vector.load %arg2[%get3A_31, %get3A_32, %get3A_33] : memref<3x2048x128xf32, #tpu.memory_space<vmem>>, vector<1x2048x128xf32>
    %get3A_35 = vector.shape_cast %get3A_34 : vector<1x2048x128xf32> to vector<2048x128xf32>
    %get3A_36 = arith.constant 2 : index
    %get3A_37 = arith.constant 0 : index
    %get3A_38 = vector.load %arg3[%get3A_36, %get3A_37] : memref<5x2048xi32, #tpu.memory_space<vmem>>, vector<1x2048xi32>
    %get3A_39 = vector.shape_cast %get3A_38 : vector<1x2048xi32> to vector<2048xi32>
    %broadcast_in_dim3A_40 = vector.shape_cast %get3A_39 : vector<2048xi32> to vector<2048x1xi32>
    %eq3A_41 = arith.constant 1 : i32
    %eq3A_42 = vector.broadcast %eq3A_41 : i32 to vector<2048x1xi32>
    %eq3A_43 = arith.cmpi eq, %broadcast_in_dim3A_40, %eq3A_42 : vector<2048x1xi32>
    %slice3A_44 = vector.extract_strided_slice %get3A_35 {offsets = [0, 64], sizes = [2048, 64], strides = [1, 1]} : vector<2048x128xf32> to vector<2048x64xf32>
    %slice3A_45 = vector.extract_strided_slice %get3A_35 {offsets = [0, 0], sizes = [2048, 64], strides = [1, 1]} : vector<2048x128xf32> to vector<2048x64xf32>
    %broadcast_in_dim3A_46 = vector.shape_cast %eq3A_43 : vector<2048x1xi1> to vector<2048x1xi1>
    %broadcast_in_dim3A_47 = vector.broadcast %broadcast_in_dim3A_46 : vector<2048x1xi1> to vector<2048x64xi1>
    %select_n3A_48 = arith.select %broadcast_in_dim3A_47, %slice3A_44, %slice3A_45 : vector<2048x64xi1>, vector<2048x64xf32>
    %get3A_49 = arith.constant 64 : index
    %get3A_50 = arith.constant 0 : index
    %get3A_51 = vector.load %arg4[%get3A_49, %get3A_50] : memref<256x128xf32, #tpu.memory_space<vmem>>, vector<64x128xf32>
    %dot_general3A_52 = arith.constant dense<0.000000e+00> : vector<2048x128xf32>
    %dot_general3A_53 = tpu.matmul %select_n3A_48, %get3A_51, %dot_general3A_52 {dimension_numbers = #tpu.dot_dimension_numbers<[1], [0], [0], [1], [0, 0, 1, 1], [], []>, transpose_lhs_hint = false} : vector<2048x64xf32>, vector<64x128xf32>, vector<2048x128xf32> -> vector<2048x128xf32>
    %add3A = arith.addf %dot_general3A_30, %dot_general3A_53 : vector<2048x128xf32>
    %get3A_54 = arith.constant 1 : index
    %get3A_55 = arith.constant 0 : index
    %get3A_56 = arith.constant 0 : index
    %get3A_57 = vector.load %arg2[%get3A_54, %get3A_55, %get3A_56] : memref<3x2048x128xf32, #tpu.memory_space<vmem>>, vector<1x2048x128xf32>
    %get3A_58 = vector.shape_cast %get3A_57 : vector<1x2048x128xf32> to vector<2048x128xf32>
    %get3A_59 = arith.constant 3 : index
    %get3A_60 = arith.constant 0 : index
    %get3A_61 = vector.load %arg3[%get3A_59, %get3A_60] : memref<5x2048xi32, #tpu.memory_space<vmem>>, vector<1x2048xi32>
    %get3A_62 = vector.shape_cast %get3A_61 : vector<1x2048xi32> to vector<2048xi32>
    %broadcast_in_dim3A_63 = vector.shape_cast %get3A_62 : vector<2048xi32> to vector<2048x1xi32>
    %eq3A_64 = arith.constant 1 : i32
    %eq3A_65 = vector.broadcast %eq3A_64 : i32 to vector<2048x1xi32>
    %eq3A_66 = arith.cmpi eq, %broadcast_in_dim3A_63, %eq3A_65 : vector<2048x1xi32>
    %slice3A_67 = vector.extract_strided_slice %get3A_58 {offsets = [0, 64], sizes = [2048, 64], strides = [1, 1]} : vector<2048x128xf32> to vector<2048x64xf32>
    %slice3A_68 = vector.extract_strided_slice %get3A_58 {offsets = [0, 0], sizes = [2048, 64], strides = [1, 1]} : vector<2048x128xf32> to vector<2048x64xf32>
    %broadcast_in_dim3A_69 = vector.shape_cast %eq3A_66 : vector<2048x1xi1> to vector<2048x1xi1>
    %broadcast_in_dim3A_70 = vector.broadcast %broadcast_in_dim3A_69 : vector<2048x1xi1> to vector<2048x64xi1>
    %select_n3A_71 = arith.select %broadcast_in_dim3A_70, %slice3A_67, %slice3A_68 : vector<2048x64xi1>, vector<2048x64xf32>
    %get3A_72 = arith.constant 128 : index
    %get3A_73 = arith.constant 0 : index
    %get3A_74 = vector.load %arg4[%get3A_72, %get3A_73] : memref<256x128xf32, #tpu.memory_space<vmem>>, vector<64x128xf32>
    %dot_general3A_75 = arith.constant dense<0.000000e+00> : vector<2048x128xf32>
    %dot_general3A_76 = tpu.matmul %select_n3A_71, %get3A_74, %dot_general3A_75 {dimension_numbers = #tpu.dot_dimension_numbers<[1], [0], [0], [1], [0, 0, 1, 1], [], []>, transpose_lhs_hint = false} : vector<2048x64xf32>, vector<64x128xf32>, vector<2048x128xf32> -> vector<2048x128xf32>
    %add3A_77 = arith.addf %add3A, %dot_general3A_76 : vector<2048x128xf32>
    %get3A_78 = arith.constant 2 : index
    %get3A_79 = arith.constant 0 : index
    %get3A_80 = arith.constant 0 : index
    %get3A_81 = vector.load %arg2[%get3A_78, %get3A_79, %get3A_80] : memref<3x2048x128xf32, #tpu.memory_space<vmem>>, vector<1x2048x128xf32>
    %get3A_82 = vector.shape_cast %get3A_81 : vector<1x2048x128xf32> to vector<2048x128xf32>
    %get3A_83 = arith.constant 4 : index
    %get3A_84 = arith.constant 0 : index
    %get3A_85 = vector.load %arg3[%get3A_83, %get3A_84] : memref<5x2048xi32, #tpu.memory_space<vmem>>, vector<1x2048xi32>
    %get3A_86 = vector.shape_cast %get3A_85 : vector<1x2048xi32> to vector<2048xi32>
    %broadcast_in_dim3A_87 = vector.shape_cast %get3A_86 : vector<2048xi32> to vector<2048x1xi32>
    %eq3A_88 = arith.constant 1 : i32
    %eq3A_89 = vector.broadcast %eq3A_88 : i32 to vector<2048x1xi32>
    %eq3A_90 = arith.cmpi eq, %broadcast_in_dim3A_87, %eq3A_89 : vector<2048x1xi32>
    %slice3A_91 = vector.extract_strided_slice %get3A_82 {offsets = [0, 64], sizes = [2048, 64], strides = [1, 1]} : vector<2048x128xf32> to vector<2048x64xf32>
    %slice3A_92 = vector.extract_strided_slice %get3A_82 {offsets = [0, 0], sizes = [2048, 64], strides = [1, 1]} : vector<2048x128xf32> to vector<2048x64xf32>
    %broadcast_in_dim3A_93 = vector.shape_cast %eq3A_90 : vector<2048x1xi1> to vector<2048x1xi1>
    %broadcast_in_dim3A_94 = vector.broadcast %broadcast_in_dim3A_93 : vector<2048x1xi1> to vector<2048x64xi1>
    %select_n3A_95 = arith.select %broadcast_in_dim3A_94, %slice3A_91, %slice3A_92 : vector<2048x64xi1>, vector<2048x64xf32>
    %get3A_96 = arith.constant 192 : index
    %get3A_97 = arith.constant 0 : index
    %get3A_98 = vector.load %arg4[%get3A_96, %get3A_97] : memref<256x128xf32, #tpu.memory_space<vmem>>, vector<64x128xf32>
    %dot_general3A_99 = arith.constant dense<0.000000e+00> : vector<2048x128xf32>
    %dot_general3A_100 = tpu.matmul %select_n3A_95, %get3A_98, %dot_general3A_99 {dimension_numbers = #tpu.dot_dimension_numbers<[1], [0], [0], [1], [0, 0, 1, 1], [], []>, transpose_lhs_hint = false} : vector<2048x64xf32>, vector<64x128xf32>, vector<2048x128xf32> -> vector<2048x128xf32>
    %add3A_101 = arith.addf %add3A_77, %dot_general3A_100 : vector<2048x128xf32>
    %get3A_102 = arith.constant 0 : index
    %get3A_103 = arith.constant 0 : index
    %get3A_104 = vector.load %arg5[%get3A_102, %get3A_103] : memref<1x128xf32, #tpu.memory_space<vmem>>, vector<1x128xf32>
    %add3A_105 = vector.broadcast %get3A_104 : vector<1x128xf32> to vector<2048x128xf32>
    %add3A_106 = arith.addf %add3A_101, %add3A_105 : vector<2048x128xf32>
    %max3A = arith.constant 0.000000e+00 : f32
    %max3A_107 = vector.broadcast %max3A : f32 to vector<2048x128xf32>
    %max3A_108 = arith.maximumf %add3A_106, %max3A_107 : vector<2048x128xf32>
    %get3A_109 = arith.constant 0 : index
    %get3A_110 = arith.constant 0 : index
    %get3A_111 = vector.load %arg6[%get3A_109, %get3A_110] : memref<128x64xf32, #tpu.memory_space<vmem>>, vector<128x64xf32>
    %dot_general3A_112 = arith.constant dense<0.000000e+00> : vector<2048x64xf32>
    %dot_general3A_113 = tpu.matmul %max3A_108, %get3A_111, %dot_general3A_112 {dimension_numbers = #tpu.dot_dimension_numbers<[1], [0], [0], [1], [0, 0, 1, 1], [], []>, transpose_lhs_hint = false} : vector<2048x128xf32>, vector<128x64xf32>, vector<2048x64xf32> -> vector<2048x64xf32>
    %get3A_114 = arith.constant 0 : index
    %get3A_115 = arith.constant 0 : index
    %get3A_116 = vector.load %arg7[%get3A_114, %get3A_115] : memref<1x64xf32, #tpu.memory_space<vmem>>, vector<1x64xf32>
    %add3A_117 = vector.broadcast %get3A_116 : vector<1x64xf32> to vector<2048x64xf32>
    %add3A_118 = arith.addf %dot_general3A_113, %add3A_117 : vector<2048x64xf32>
    %swap3A = arith.constant 0 : index
    %swap3A_119 = arith.constant 0 : index
    %swap3A_120 = vector.load %arg8[%swap3A, %swap3A_119] : memref<2048x64xf32, #tpu.memory_space<vmem>>, vector<2048x64xf32>
    tpu.vector_store %arg8[%swap3A, %swap3A_119], %add3A_118 {strides = array<i32>} : memref<2048x64xf32, #tpu.memory_space<vmem>>, vector<2048x64xf32>,
    return
  }
  func.func @transform_0(%arg0: i32) -> (i32, i32) {
    %c0_i32 = arith.constant 0 : i32
    %c0_i32_0 = arith.constant 0 : i32
    return %arg0, %c0_i32 : i32, i32
  }
  func.func @transform_1(%arg0: i32) -> (i32, i32, i32) {
    %c0_i32 = arith.constant 0 : i32
    %c0_i32_0 = arith.constant 0 : i32
    %c0_i32_1 = arith.constant 0 : i32
    return %c0_i32, %arg0, %c0_i32_0 : i32, i32, i32
  }
  func.func @transform_2(%arg0: i32) -> (i32, i32) {
    %c0_i32 = arith.constant 0 : i32
    %c0_i32_0 = arith.constant 0 : i32
    return %c0_i32, %arg0 : i32, i32
  }
  func.func @transform_3(%arg0: i32) -> (i32, i32) {
    %c0_i32 = arith.constant 0 : i32
    %c0_i32_0 = arith.constant 0 : i32
    %c0_i32_1 = arith.constant 0 : i32
    return %c0_i32, %c0_i32_0 : i32, i32
  }
  func.func @transform_4(%arg0: i32) -> (i32, i32) {
    %c0_i32 = arith.constant 0 : i32
    %c0_i32_0 = arith.constant 0 : i32
    %c0_i32_1 = arith.constant 0 : i32
    return %c0_i32, %c0_i32_0 : i32, i32
  }
  func.func @transform_5(%arg0: i32) -> (i32, i32) {
    %c0_i32 = arith.constant 0 : i32
    %c0_i32_0 = arith.constant 0 : i32
    %c0_i32_1 = arith.constant 0 : i32
    return %c0_i32, %c0_i32_0 : i32, i32
  }
  func.func @transform_6(%arg0: i32) -> (i32, i32) {
    %c0_i32 = arith.constant 0 : i32
    %c0_i32_0 = arith.constant 0 : i32
    %c0_i32_1 = arith.constant 0 : i32
    return %c0_i32, %c0_i32_0 : i32, i32
  }
  func.func @transform_7(%arg0: i32) -> (i32, i32) {
    %c0_i32 = arith.constant 0 : i32
    %c0_i32_0 = arith.constant 0 : i32
    return %arg0, %c0_i32 : i32, i32
  }
}

</mosaic_0001>

<sc_bundles>
// kernel: kernel.6.cloned.1.call-start
scs
__scs_entry_jumppad:
0x0: {  	(pc) =	sbr.rel $0x88, $3  }
0x1: {  	(tag) =	ssettag $0x0;
	lr =	simm.s32 $0x1  }
0x2: {  	[smem:$0x3F95] =	sst lr;
	_ =	strace $0xD0000000  }
0x3: {  	_ = 	snop  }
0x4: {  	_ = 	snop  }
0x5: {  	_ = 	snop  }
0x6: {  	_ = 	snop  }
0x7: {  	_ = 	snop  }
__scs_overlays_trampoline_lowered:
0x8: {  	[smem:$0x3FA4] =	sst s0  }
0x9: {  	[smem:$0x3FA5] =	sst s1  }
0xa: {  	[smem:$0x3FA6] =	sst s2  }
0xb: {  	[smem:$0x3FA7] =	sst s3  }
0xc: {  	[smem:$0x3FA8] =	sst s4  }
0xd: {  	[smem:$0x3FA9] =	sst s5  }
0xe: {  	[smem:$0x3FAA] =	sst s6  }
0xf: {  	[smem:$0x3FAB] =	sst s7  }
0x10: {  	[smem:$0x3FAC] =	sst s8  }
0x11: {  	[smem:$0x3FAD] =	sst s9;
	s0 =	simm.s32 @!p0 $0x0  }
0x12: {  	s1 =	sld [smem:$0x3F93];
	s0 =	simm.s32 @p0 $0x1  }
0x13: {  	[smem:$0x3FAE] =	sst s0;
	s0 =	simm.s32 @!p1 $0x0  }
0x14: {  	s2 =	sld [smem:$0x3F92];
	s0 =	simm.s32 @p1 $0x1  }
0x15: {  	[smem:$0x3FAF] =	sst s0;
	s0 =	simm.s32 @!p2 $0x0  }
0x16: {  	s3 =	sld [smem:$0x3FDB];
	s0 =	simm.s32 @p2 $0x1  }
0x17: {  	s4 =	simm.s32 $0x1BF5;
	[smem:$0x3FB1] =	sst s0  }
0x18: {  	s0 =	sld [smem:$0x3F94];
	_ =	swait.ge [sflag:s4], $0x0  }
0x19: {  	s7 =	sld [smem:$0x3F95]  }
0x1a: {  	s8 =	sadd.s32 $0xFFFFE003, lr  }
0x1b: {  	s9 =	sadd.s32 $0xFFFFFEF7, lr;
	s5 =	simm.s32 $0xFFFFFFFF;
	p2 =	slt.u32 s8, $0xFFFFF086  }
0x1c: {  	p1 =	slt.u32 s9, $0xF7A;
	s5 =	simm.s32 @!p2 $0x0  }
0x1d: {  	s5 =	simm.s32 @p1 $0x1;
	p0 =	seq.s32 s7, s2  }
0x1e: {  	s7 =	smul.u32 @!p0 $0xF7A, s2;
	p2 =	seq.s32 @!p0 s5, $0x0  }
0x1f: {  	s9 =	smul.u32 $0xF7A, s1;
	s8 =	simm.s32 @!p0 $0x1BF5;
	p2 =	por !p2, p0  }
0x20: {  	[sflag:s8] =	ssyncset.s32 @!p0 $0xFFFFF086;
	s6 =	sadd.s32 @!p0 s3, s7;
	s7 =	simm.s32 @!p0 $0x108  }
0x21: {  	s3 =	sadd.s32 s3, s9;
	s6 =	sadd.s32 @!p0 $0x88, s6;
	s7 =	simm.s32 @p2 $0x1082  }
0x22: {  	[simem:s7], [sflag:s8] =	dma.local @!p0 [hbm:s6], $0xF7A  }
0x23: {  	s9 =	sor.u32 $0xD0000000, s2;
	s6 =	simm.s32 $0x108;
	_ =	swait.ge @!p0 [sflag:s8], $0x0  }
0x24: {  	s3 =	sadd.s32 $0x88, s3;
	s6 =	simm.s32 @!p1 $0x1082;
	[sflag:s4] =	ssyncset.s32 $0xFFFFF086  }
0x25: {  	[simem:s6], [sflag:s4] =	dma.local [hbm:s3], $0xF7A  }
0x26: {  	[smem:$0x3F95] =	sst s1;
	(tag) =	ssettag s2;
	_ =	strace s9  }
0x27: {  	s1 =	sld [smem:$0x3FA5]  }
0x28: {  	s2 =	sld [smem:$0x3FA6]  }
0x29: {  	s4 =	sld [smem:$0x3FA8]  }
0x2a: {  	p0 =	seq.s32 s5, $0x0;
	s5 =	sld [smem:$0x3FA9]  }
0x2b: {  	s6 =	sld [smem:$0x3FAA]  }
0x2c: {  	s7 =	sld [smem:$0x3FAB]  }
0x2d: {  	s3 =	simm.s32 $0x108;
	s8 =	sld [smem:$0x3FAC]  }
0x2e: {  	s3 =	simm.s32 @!p0 $0x1082;
	s9 =	sld [smem:$0x3FAD]  }
0x2f: {  	lr =	sadd.s32 s0, s3;
	s0 =	sld [smem:$0x3FA4]  }
0x30: {  	s3 =	sld [smem:$0x3FA7]  }
0x31: {  	[smem:$0x3FB0] =	sst s10  }
0x32: {  	s10 =	sld [smem:$0x3FAE];
	_ =	sdelay $0x3  }
0x33: {  	p0 =	seq.s32 s10, $0x1;
	s10 =	sld [smem:$0x3FB0];
	_ =	sdelay $0x3  }
0x34: {  	[smem:$0x3FB0] =	sst s10  }
0x35: {  	s10 =	sld [smem:$0x3FAF];
	_ =	sdelay $0x3  }
0x36: {  	p1 =	seq.s32 s10, $0x1;
	s10 =	sld [smem:$0x3FB0];
	_ =	sdelay $0x3  }
0x37: {  	[smem:$0x3FB0] =	sst s10  }
0x38: {  	s10 =	sld [smem:$0x3FB1]  }
0x39: {  	_ = 	snop;
	(pc) =	sbr.ind lr, $3  }
0x3a: {  	_ = 	snop  }
0x3b: {  	_ = 	snop  }
0x3c: {  	p2 =	seq.s32 s10, $0x1;
	s10 =	sld [smem:$0x3FB0]  }
0x3d: {  	_ =	shalt  }
0x3e: {  	_ =	shalt  }
0x3f: {  	_ =	shalt  }
0x40: {  	_ =	shalt  }
0x41: {  	_ =	shalt  }
0x42: {  	_ =	shalt  }
0x43: {  	_ =	shalt  }
0x44: {  	_ =	shalt  }
0x45: {  	_ =	shalt  }
0x46: {  	_ =	shalt  }
0x47: {  	_ =	shalt  }
0x48: {  	_ =	shalt  }
0x49: {  	_ =	shalt  }
0x4a: {  	_ =	shalt  }
0x4b: {  	_ =	shalt  }
0x4c: {  	_ =	shalt  }
0x4d: {  	_ =	shalt  }
0x4e: {  	_ =	shalt  }
0x4f: {  	_ =	shalt  }
0x50: {  	_ =	shalt  }
0x51: {  	_ =	shalt  }
0x52: {  	_ =	shalt  }
0x53: {  	_ =	shalt  }
0x54: {  	_ =	shalt  }
0x55: {  	_ =	shalt  }
0x56: {  	_ =	shalt  }
0x57: {  	_ =	shalt  }
0x58: {  	_ =	shalt  }
0x59: {  	_ =	shalt  }
0x5a: {  	_ =	shalt  }
0x5b: {  	_ =	shalt  }
0x5c: {  	_ =	shalt  }
0x5d: {  	_ =	shalt  }
0x5e: {  	_ =	shalt  }
0x5f: {  	_ =	shalt  }
0x60: {  	_ =	shalt  }
0x61: {  	_ =	shalt  }
0x62: {  	_ =	shalt  }
0x63: {  	_ =	shalt  }
0x64: {  	_ =	shalt  }
0x65: {  	_ =	shalt  }
0x66: {  	_ =	shalt  }
0x67: {  	_ =	shalt  }
0x68: {  	_ =	shalt  }
0x69: {  	_ =	shalt  }
0x6a: {  	_ =	shalt  }
0x6b: {  	_ =	shalt  }
0x6c: {  	_ =	shalt  }
0x6d: {  	_ =	shalt  }
0x6e: {  	_ =	shalt  }
0x6f: {  	_ =	shalt  }
0x70: {  	_ =	shalt  }
0x71: {  	_ =	shalt  }
0x72: {  	_ =	shalt  }
0x73: {  	_ =	shalt  }
0x74: {  	_ =	shalt  }
0x75: {  	_ =	shalt  }
0x76: {  	_ =	shalt  }
0x77: {  	_ =	shalt  }
0x78: {  	_ =	shalt  }
0x79: {  	_ =	shalt  }
0x7a: {  	_ =	shalt  }
0x7b: {  	_ =	shalt  }
0x7c: {  	_ =	shalt  }
0x7d: {  	_ =	shalt  }
0x7e: {  	_ =	shalt  }
0x7f: {  	_ =	shalt  }
0x80: {  	_ =	shalt  }
0x81: {  	_ =	shalt  }
0x82: {  	_ =	shalt  }
0x83: {  	_ =	shalt  }
0x84: {  	_ =	shalt  }
0x85: {  	_ =	shalt  }
0x86: {  	_ =	shalt  }
0x87: {  	_ =	shalt  }
.Lfunc_end0:
.L_simem_size_0:
called_computation_lowered:
.L_overlay_start_0:
0x88: {  	s2 =	sld [smem:$0x3FD9]  }
0x89: {  	s3 =	sld [smem:$0x3FFE];
	_ =	sdelay $0x1  }
0x8a: {  	s1 =	srdreg.scid  }
0x8b: {  	s0 =	sand.u32 $0x1, s1  }
0x8c: {  	s17 =	sshll.u32 s0, $0xA;
	s2 =	sadd.s32 s3, s2  }
0x8d: {  	s2 =	sadd.s32 s2, s17  }
0x8e: {  	[smem:$0x3FBC] =	sst s2  }
0x8f: {  	_ = 	snop  }
0x90: {  	s18 =	sld [smem:$0x3FD0];
	(tm) =	ssettm $0x1  }
0x91: {  	s19 =	sld [smem:$0x3FFB];
	_ =	sdelay $0x3  }
0x92: {  	_ =	strace s19  }
0x93: {  	s2 =	sld [smem:$0x3FFC];
	_ =	sdelay $0x3  }
0x94: {  	_ =	strace s2  }
0x95: {  	s2 =	sld [smem:$0x3FFD];
	_ =	sdelay $0x3  }
0x96: {  	_ =	strace s2  }
0x97: {  	_ =	strace $0x8FFFFFFF  }
0x98: {  	s20 =	sld [smem:$0x3FDB];
	_ =	sdelay $0x1  }
0x99: {  	s4 =	simm.s32 $_scs_section_size  }
0x9a: {  	s5 =	simm.s32 $_size__tile_overlayer_lowered;
	s6 =	simm.s32 $_tile_overlayer_lowered  }
0x9b: {  	s7 =	simm.s32 $0x1BFF;
	s21 =	sshll.u32 s6, $0x1;
	s4 =	sadd.s32 s4, s20  }
0x9c: {  	s22 =	simm.s32 $0x0;
	s5 =	sshll.u32 s5, $0x1;
	s6 =	sadd.s32 s21, s4  }
0x9d: {  	[timem:s22], [sflag:s7] =	dma.local [hbm:s6], s5  }
0x9e: {  	_ =	swait.ge [sflag:s7], s5  }
0x9f: {  	s5 =	ssub.s32 $0x0, s5;
	[sflag:s7] =	ssyncset.done $0x0  }
0xa0: {  	[sflag:s7] =	ssyncadd.s32 s5;
	_ =	sdelay $0x1  }
0xa1: {  	s23 =	simm.s32 $0x1B8B  }
0xa2: {  	_ =	swait.ge [sflag:s23], $0x1  }
0xa3: {  	[sflag:s23] =	ssyncset.done $0x0  }
0xa4: {  	[sflag:s23] =	ssyncadd.s32 $0xFFFFFFFF  }
0xa5: {  	s5 =	sld [smem:$0x0]  }
0xa6: {  	s6 =	sand.u32 $0xFFFFFFFE, s1  }
0xa7: {  	p0 =	sne.s32 s1, s6  }
0xa8: {  	s6 =	sshll.u32 @p0 s6, $0xE  }
0xa9: {  	s6 =	sadd.s32 @p0 $0x11B8D, s6;
	s7 =	sshll.u32 @p0 s5, $0x11  }
0xaa: {  	s6 =	sor.u32 @p0 s7, s6  }
0xab: {  	[sflag:s6] =	ssyncadd.remote.s32 @p0 $0x1;
	_ =	sdelay $0x1  }
0xac: {  	s6 =	simm.s32 @p0 $0x1B8D  }
0xad: {  	_ =	swait.eq @p0 [sflag:s6], $0x1  }
0xae: {  	[sflag:s6] =	ssyncadd.s32 @p0 $0xFFFFFFFF  }
0xaf: {  	s7 =	sshll.u32 @!p0 s1, $0xE  }
0xb0: {  	s7 =	sor.u32 @!p0 $0x4000, s7;
	s6 =	simm.s32 @!p0 $0x1B8D  }
0xb1: {  	s5 =	sshll.u32 @!p0 s5, $0x11;
	s7 =	sadd.s32 @!p0 $0x11B8D, s7;
	_ =	swait.eq @!p0 [sflag:s6], $0x1  }
0xb2: {  	s5 =	sor.u32 @!p0 s5, s7;
	[sflag:s6] =	ssyncadd.s32 @!p0 $0xFFFFFFFF  }
0xb3: {  	s25 =	simm.s32 $0x1B8E;
	s24 =	sld [smem:$0x3FFE];
	[sflag:s5] =	ssyncadd.remote.s32 @!p0 $0x1  }
0xb4: {  	s26 =	simm.s32 $execute0_lowered;
	[smem:$0x3FD2] =	sst s25  }
0xb5: {  	s6 =	sshll.u32 s26, $0x1;
	_ =	strace $0x80000049;
	[dreg:$0x1] =	wrdreg $0xFFFFFFFF  }
0xb6: {  	s28 =	simm.s32 $_size_execute0_lowered;
	s4 =	sadd.s32 s4, s6;
	[dreg:$0x0] =	wrdreg $0x0  }
0xb7: {  	s6 =	sshll.u32 s28, $0x1;
	[dreg:$0x2] =	wrdreg s4  }
0xb8: {  	[dreg:$0x3] =	wrdreg s6  }
0xb9: {  	[dreg:$0x4] =	wrdreg $0xC0  }
0xba: {  	_ =	task [dreg:s22], $0x5FFFF  }
0xbb: {  	[dreg:$0x1] =	wrdreg $0xFFFFFFFF  }
0xbc: {  	[dreg:$0x0] =	wrdreg $0x60  }
0xbd: {  	[dreg:$0x2] =	wrdreg s24  }
0xbe: {  	[dreg:$0x3] =	wrdreg s18  }
0xbf: {  	[dreg:$0x4] =	wrdreg $0x9  }
0xc0: {  	_ =	task.clear_ibuf [dreg:s22], $0x5FFFF;
	_ =	strace $0x90000049  }
0xc1: {  	s29 =	simm.s32 $0x9;
	_ =	strace $0x8000004B  }
0xc2: {  	_ =	swait.ge [sflag:s29], $0x1  }
0xc3: {  	[sflag:s29] =	ssyncadd.s32 $0xFFFFFFFF  }
0xc4: {  	_ =	strace $0x9000004B  }
0xc5: {  	_ =	sfence  }
0xc6: {  	s30 =	sld [smem:$0x0];
	_ =	sdelay $0x2  }
0xc7: {  	s31 =	sshll.u32 s1, $0xD;
	s1 =	sshrl.u32 s1, $0x2  }
0xc8: {  	s4 =	sand.u32 $0x4000, s31;
	s1 =	sadd.s32 s1, s30  }
0xc9: {  	s0 =	sor.u32 s4, s0;
	s1 =	sshll.u32 s1, $0x11  }
0xca: {  	s0 =	sor.u32 s1, s0  }
0xcb: {  	s0 =	sadd.s32 $0x8F2B, s0  }
0xcc: {  	[sflag:s0] =	ssyncadd.remote.s32 $0x1  }
0xcd: {  	_ =	sfence.sel $0xFFFF  }
0xce: {  	[dreg:$0x0] =	wrdreg $0xFFFFFFFF;
	(pc) =	sbr.abs _section_cstart, $3  }
0xcf: {  	[dreg:$0x1] =	wrdreg $0xFFFFFFFF  }
0xd0: {  	_ =	task.clear_ibuf [dreg:s22], $0x2FFFF;
	_ =	strace $0x9FFFFFFF  }
0xd1: {  	(tm) =	ssettm $0x7FFFFFFF  }
tec
execute0_lowered:
.L_overlay_start_1:
0x0: {  	(tag) =	ssettag $0x1  }
0x1: {  	s1 =	srdreg.scid  }
0x2: {  	s0 =	stileid.u32;
	s24 =	sand.u32 $0x1, s1  }
0x3: {  	s20 =	rddreg [dreg:$0x0];
	s30 =	sshll.u32 s0, $0xA;
	s3 =	sshll.u32 s24, $0x9  }
0x4: {  	s2 =	rddreg [dreg:$0x1];
	s14 =	sor.u32 s3, s30  }
0x5: {  	s1 =	rddreg [dreg:$0x2];
	s3 =	simm.s32 $0x0;
	s4 =	sshrl.u32 s14, $0x3  }
0x6: {  	[smem:$0x7FF] =	sst s3;
	s8 =	sadd.s32 s4, s20  }
0x7: {  	_ =	strace $0x8000004A;
	s4 =	simm.s32 $0x3;
	s5 =	sadd.s32 $0x443A00, s8  }
0x8: {  	[tilespmem:s3], [sflag:$0x3] =	stream.linear.gather [hbm4b:s5+s3], $0x200, $0x38;
	[tilespmem:$0x10600] =	vst v63  }
0x9: {  	_ =	swait.ge [sflag:s4], $0x200  }
0xa: {  	[sflag:s4] =	ssyncset.done $0x0  }
0xb: {  	s7 =	simm.s32 $0x200;
	s6 =	sadd.s32 $0x444200, s8;
	[sflag:s4] =	ssyncadd.s32 $0xFFFFFE00  }
0xc: {  	[tilespmem:s7], [sflag:$0x3] =	stream.linear.gather [hbm4b:s6+s3], $0x200, $0x38;
	[tilespmem:$0x10600] =	vst v63  }
0xd: {  	_ =	swait.ge [sflag:s4], $0x200  }
0xe: {  	[sflag:s4] =	ssyncset.done $0x0  }
0xf: {  	s9 =	simm.s32 $0x400;
	s8 =	sadd.s32 $0x444A00, s8;
	[sflag:s4] =	ssyncadd.s32 $0xFFFFFE00  }
0x10: {  	[tilespmem:s9], [sflag:$0x3] =	stream.linear.gather [hbm4b:s8+s3], $0x200, $0x38;
	[tilespmem:$0x10600] =	vst v63  }
0x11: {  	_ =	swait.ge [sflag:s4], $0x200  }
0x12: {  	[sflag:s4] =	ssyncset.done $0x0  }
0x13: {  	s10 =	simm.s32 $0x100;
	s11 =	simm.s32 $0x600;
	[sflag:s4] =	ssyncadd.s32 $0xFFFFFE00  }
0x14: {  	[tilespmem:s11], [sflag:$0x1] =	stream.indirect.gather [hbm4b:s2+s10], $0x80, s3, s10, $0xb8;
	[tilespmem:$0x10600] =	vst v63  }
0x15: {  	s12 =	simm.s32 $0x8600;
	s13 =	simm.s32 $0x1  }
0x16: {  	[tilespmem:s12], [sflag:$0x2] =	stream.indirect.gather [hbm4b:s2+s10], $0x80, s10, s10, $0xb8;
	[tilespmem:$0x10600] =	vst v63  }
0x17: {  	s14 =	sshll.u32 s14, $0x4;
	_ =	swait.ge [sflag:s13], $0x8000  }
0x18: {  	s25 =	sadd.s32 s14, s20;
	[sflag:s13] =	ssyncset.done $0x0  }
0x19: {  	s14 =	sadd.s32 $0x449200, s25;
	[sflag:s13] =	ssyncadd.s32 $0xFFFF8000  }
0x1a: {  	[hbm4b:s14+s3] =	stream.linear.scatter [tilespmem:s11], [sflag:$0x3], $0x8000, $0x38;
	[tilespmem:$0x10600] =	vst v63  }
0x1b: {  	_ =	swait.ge [sflag:s4], $0x8000  }
0x1c: {  	[sflag:s4] =	ssyncset.done $0x0  }
0x1d: {  	s16 =	simm.s32 $0x2;
	s15 =	sadd.s32 $0x445200, s20;
	[sflag:s4] =	ssyncadd.s32 $0xFFFF8000  }
0x1e: {  	[tilespmem:s11], [sflag:$0x1] =	stream.indirect.gather [hbm4b:s15+s10], $0x80, s7, s10, $0xb8;
	[tilespmem:$0x10600] =	vst v63  }
0x1f: {  	_ =	swait.ge [sflag:s16], $0x8000  }
0x20: {  	[sflag:s16] =	ssyncset.done $0x0  }
0x21: {  	s17 =	sadd.s32 $0x44A200, s25;
	[sflag:s16] =	ssyncadd.s32 $0xFFFF8000  }
0x22: {  	[hbm4b:s17+s3] =	stream.linear.scatter [tilespmem:s12], [sflag:$0x3], $0x8000, $0x38;
	[tilespmem:$0x10600] =	vst v63  }
0x23: {  	_ =	swait.ge [sflag:s4], $0x8000  }
0x24: {  	[sflag:s4] =	ssyncset.done $0x0  }
0x25: {  	s18 =	simm.s32 $0x300;
	[sflag:s4] =	ssyncadd.s32 $0xFFFF8000  }
0x26: {  	[tilespmem:s12], [sflag:$0x2] =	stream.indirect.gather [hbm4b:s15+s10], $0x80, s18, s10, $0xb8;
	[tilespmem:$0x10600] =	vst v63  }
0x27: {  	_ =	swait.ge [sflag:s13], $0x8000  }
0x28: {  	[sflag:s13] =	ssyncset.done $0x0  }
0x29: {  	s19 =	sadd.s32 $0x489200, s25;
	[sflag:s13] =	ssyncadd.s32 $0xFFFF8000  }
0x2a: {  	[hbm4b:s19+s3] =	stream.linear.scatter [tilespmem:s11], [sflag:$0x3], $0x8000, $0x38;
	[tilespmem:$0x10600] =	vst v63  }
0x2b: {  	_ =	swait.ge [sflag:s4], $0x8000  }
0x2c: {  	[sflag:s4] =	ssyncset.done $0x0  }
0x2d: {  	s20 =	sadd.s32 $0x447200, s20;
	[sflag:s4] =	ssyncadd.s32 $0xFFFF8000  }
0x2e: {  	[tilespmem:s11], [sflag:$0x1] =	stream.indirect.gather [hbm4b:s20+s10], $0x80, s9, s10, $0xb8;
	[tilespmem:$0x10600] =	vst v63  }
0x2f: {  	_ =	swait.ge [sflag:s16], $0x8000  }
0x30: {  	[sflag:s16] =	ssyncset.done $0x0  }
0x31: {  	s21 =	sadd.s32 $0x48A200, s25;
	[sflag:s16] =	ssyncadd.s32 $0xFFFF8000  }
0x32: {  	[hbm4b:s21+s3] =	stream.linear.scatter [tilespmem:s12], [sflag:$0x3], $0x8000, $0x38;
	[tilespmem:$0x10600] =	vst v63  }
0x33: {  	_ =	swait.ge [sflag:s4], $0x8000  }
0x34: {  	[sflag:s4] =	ssyncset.done $0x0  }
0x35: {  	s22 =	simm.s32 $0x500;
	[sflag:s4] =	ssyncadd.s32 $0xFFFF8000  }
0x36: {  	[tilespmem:s12], [sflag:$0x2] =	stream.indirect.gather [hbm4b:s20+s10], $0x80, s22, s10, $0xb8;
	[tilespmem:$0x10600] =	vst v63  }
0x37: {  	_ =	swait.ge [sflag:s13], $0x8000  }
0x38: {  	[sflag:s13] =	ssyncset.done $0x0  }
0x39: {  	s24 =	ssub.s32 $0x2, s24;
	s23 =	sadd.s32 $0x4C9200, s25;
	[sflag:s13] =	ssyncadd.s32 $0xFFFF8000  }
0x3a: {  	[hbm4b:s23+s3] =	stream.linear.scatter [tilespmem:s11], [sflag:$0x3], $0x8000, $0x38;
	[tilespmem:$0x10600] =	vst v63  }
0x3b: {  	s26 =	sshrl.u32 s24, $0x1;
	_ =	swait.ge [sflag:s4], $0x8000  }
0x3c: {  	s26 =	ssub.s32 s24, s26;
	[sflag:s4] =	ssyncset.done $0x0  }
0x3d: {  	s31 =	smax.u32 s26, $0x1;
	[sflag:s4] =	ssyncadd.s32 $0xFFFF8000  }
0x3e: {  	p0 =	sne.s32 s31, $0x1;
	_ =	swait.ge [sflag:s16], $0x8000  }
.Ltmp0:
0x3f: {  	[sflag:s16] =	ssyncset.done $0x0;
	(pc) =	sbr.rel @!p0 .LBB2_2-.Ltmp0, $4  }
0x40: {  	s24 =	sadd.s32 $0x4CA200, s25;
	[sflag:s16] =	ssyncadd.s32 $0xFFFF8000  }
0x41: {  	[hbm4b:s24+s3] =	stream.linear.scatter [tilespmem:s12], [sflag:$0x3], $0x8000, $0x38;
	[tilespmem:$0x10600] =	vst v63  }
0x42: {  	_ =	swait.ge [sflag:s4], $0x8000  }
0x43: {  	s25 =	sadd.s32 $0xFFFFFFFF, s31;
	[sflag:s4] =	ssyncset.done $0x0  }
.LBB2_1:
0x44: {  	p0 =	sne.s32 s25, $0x1;
	s25 =	sadd.s32 $0xFFFFFFFF, s25;
	[sflag:s4] =	ssyncadd.s32 $0xFFFF8000  }
0x45: {  	[tilespmem:s3], [sflag:$0x3] =	stream.linear.gather [hbm4b:s5+s3], $0x200, $0x38;
	[tilespmem:$0x10600] =	vst v63  }
0x46: {  	_ =	swait.ge [sflag:s4], $0x200  }
0x47: {  	[sflag:s4] =	ssyncset.done $0x0  }
0x48: {  	[sflag:s4] =	ssyncadd.s32 $0xFFFFFE00  }
0x49: {  	[tilespmem:s7], [sflag:$0x3] =	stream.linear.gather [hbm4b:s6+s3], $0x200, $0x38;
	[tilespmem:$0x10600] =	vst v63  }
0x4a: {  	_ =	swait.ge [sflag:s4], $0x200  }
0x4b: {  	[sflag:s4] =	ssyncset.done $0x0  }
0x4c: {  	[sflag:s4] =	ssyncadd.s32 $0xFFFFFE00  }
0x4d: {  	[tilespmem:s9], [sflag:$0x3] =	stream.linear.gather [hbm4b:s8+s3], $0x200, $0x38;
	[tilespmem:$0x10600] =	vst v63  }
0x4e: {  	_ =	swait.ge [sflag:s4], $0x200  }
0x4f: {  	[sflag:s4] =	ssyncset.done $0x0  }
0x50: {  	[sflag:s4] =	ssyncadd.s32 $0xFFFFFE00  }
0x51: {  	[tilespmem:s11], [sflag:$0x1] =	stream.indirect.gather [hbm4b:s2+s10], $0x80, s3, s10, $0xb8;
	[tilespmem:$0x10600] =	vst v63  }
0x52: {  	_ = 	snop  }
0x53: {  	[tilespmem:s12], [sflag:$0x2] =	stream.indirect.gather [hbm4b:s2+s10], $0x80, s10, s10, $0xb8;
	[tilespmem:$0x10600] =	vst v63  }
0x54: {  	_ =	swait.ge [sflag:s13], $0x8000  }
0x55: {  	[sflag:s13] =	ssyncset.done $0x0  }
0x56: {  	[sflag:s13] =	ssyncadd.s32 $0xFFFF8000  }
0x57: {  	[hbm4b:s14+s3] =	stream.linear.scatter [tilespmem:s11], [sflag:$0x3], $0x8000, $0x38;
	[tilespmem:$0x10600] =	vst v63  }
0x58: {  	_ =	swait.ge [sflag:s4], $0x8000  }
0x59: {  	[sflag:s4] =	ssyncset.done $0x0  }
0x5a: {  	[sflag:s4] =	ssyncadd.s32 $0xFFFF8000  }
0x5b: {  	[tilespmem:s11], [sflag:$0x1] =	stream.indirect.gather [hbm4b:s15+s10], $0x80, s7, s10, $0xb8;
	[tilespmem:$0x10600] =	vst v63  }
0x5c: {  	_ =	swait.ge [sflag:s16], $0x8000  }
0x5d: {  	[sflag:s16] =	ssyncset.done $0x0  }
0x5e: {  	[sflag:s16] =	ssyncadd.s32 $0xFFFF8000  }
0x5f: {  	[hbm4b:s17+s3] =	stream.linear.scatter [tilespmem:s12], [sflag:$0x3], $0x8000, $0x38;
	[tilespmem:$0x10600] =	vst v63  }
0x60: {  	_ =	swait.ge [sflag:s4], $0x8000  }
0x61: {  	[sflag:s4] =	ssyncset.done $0x0  }
0x62: {  	[sflag:s4] =	ssyncadd.s32 $0xFFFF8000  }
0x63: {  	[tilespmem:s12], [sflag:$0x2] =	stream.indirect.gather [hbm4b:s15+s10], $0x80, s18, s10, $0xb8;
	[tilespmem:$0x10600] =	vst v63  }
0x64: {  	_ =	swait.ge [sflag:s13], $0x8000  }
0x65: {  	[sflag:s13] =	ssyncset.done $0x0  }
0x66: {  	[sflag:s13] =	ssyncadd.s32 $0xFFFF8000  }
0x67: {  	[hbm4b:s19+s3] =	stream.linear.scatter [tilespmem:s11], [sflag:$0x3], $0x8000, $0x38;
	[tilespmem:$0x10600] =	vst v63  }
0x68: {  	_ =	swait.ge [sflag:s4], $0x8000  }
0x69: {  	[sflag:s4] =	ssyncset.done $0x0  }
0x6a: {  	[sflag:s4] =	ssyncadd.s32 $0xFFFF8000  }
0x6b: {  	[tilespmem:s11], [sflag:$0x1] =	stream.indirect.gather [hbm4b:s20+s10], $0x80, s9, s10, $0xb8;
	[tilespmem:$0x10600] =	vst v63  }
0x6c: {  	_ =	swait.ge [sflag:s16], $0x8000  }
0x6d: {  	[sflag:s16] =	ssyncset.done $0x0  }
0x6e: {  	[sflag:s16] =	ssyncadd.s32 $0xFFFF8000  }
0x6f: {  	[hbm4b:s21+s3] =	stream.linear.scatter [tilespmem:s12], [sflag:$0x3], $0x8000, $0x38;
	[tilespmem:$0x10600] =	vst v63  }
0x70: {  	_ =	swait.ge [sflag:s4], $0x8000  }
0x71: {  	[sflag:s4] =	ssyncset.done $0x0  }
0x72: {  	[sflag:s4] =	ssyncadd.s32 $0xFFFF8000  }
0x73: {  	[tilespmem:s12], [sflag:$0x2] =	stream.indirect.gather [hbm4b:s20+s10], $0x80, s22, s10, $0xb8;
	[tilespmem:$0x10600] =	vst v63  }
0x74: {  	_ =	swait.ge [sflag:s13], $0x8000  }
0x75: {  	[sflag:s13] =	ssyncset.done $0x0  }
0x76: {  	[sflag:s13] =	ssyncadd.s32 $0xFFFF8000  }
0x77: {  	[hbm4b:s23+s3] =	stream.linear.scatter [tilespmem:s11], [sflag:$0x3], $0x8000, $0x38;
	[tilespmem:$0x10600] =	vst v63  }
0x78: {  	_ =	swait.ge [sflag:s4], $0x8000  }
0x79: {  	[sflag:s4] =	ssyncset.done $0x0  }
0x7a: {  	[sflag:s4] =	ssyncadd.s32 $0xFFFF8000  }
0x7b: {  	_ =	swait.ge [sflag:s16], $0x8000  }
.Ltmp1:
0x7c: {  	[sflag:s16] =	ssyncset.done $0x0;
	(pc) =	sbr.rel @p0 .LBB2_1-.Ltmp1, $4  }
0x7d: {  	[sflag:s16] =	ssyncadd.s32 $0xFFFF8000  }
0x7e: {  	[hbm4b:s24+s3] =	stream.linear.scatter [tilespmem:s12], [sflag:$0x3], $0x8000, $0x38;
	[tilespmem:$0x10600] =	vst v63  }
0x7f: {  	_ =	swait.ge [sflag:s4], $0x8000  }
0x80: {  	[sflag:s4] =	ssyncset.done $0x0  }
.LBB2_2:
0x81: {  	[sflag:s4] =	ssyncadd.s32 $0xFFFF8000  }
0x82: {  	_ =	sfence.sel $0x180000  }
0x83: {  	[bflag:$0x0] =	sbarrier.arrive $0xFFFF  }
0x84: {  	p0 =	sne.s32 s0, $0x0;
	_ =	strace $0x9000004A  }
0x85: {  	s0 =	sadd.s32 @!p0 $0x100000, s1;
	[bflag:$0x2] =	sbarrier.arrive $0xFFFF  }
0x86: {  	[sflag:s0] =	ssyncadd.tile.s32 @!p0 $0x1;
	_ =	shalt  }
.Lfunc_end2:
_tile_overlayer_lowered:
.L_overlay_start_2:
0x87: {  	(tag) =	ssettag $0x2  }
0x88: {  	s0 =	rddreg [dreg:$0x0];
	s2 =	stileid.u32  }
0x89: {  	s1 =	rddreg [dreg:$0x1];
	p0 =	sne.s32 s2, $0x0  }
0x8a: {  	s3 =	rddreg [dreg:$0x2];
	[bflag:$0x3] =	sbarrier.arrive $0xFFFF;
	s2 =	simm.s32 @!p0 $0x1C03  }
0x8b: {  	[timem:s3], [sflag:s2] =	dma.local @!p0 [hbm:s0], s1  }
0x8c: {  	s0 =	simm.s32 @!p0 $0x3  }
0x8d: {  	_ =	swait.ge @!p0 [sflag:s0], s1  }
0x8e: {  	s1 =	ssub.s32 @!p0 $0x0, s1;
	[sflag:s0] =	ssyncset.done @!p0 $0x0  }
0x8f: {  	[sflag:s0] =	ssyncadd.s32 @!p0 s1  }
0x90: {  	[bflag:$0x3] =	sbarrier.arrive $0xFFFF  }
0x91: {  	_ =	shalt  }

// kernel: kernel.9.cloned.1.call-start
scs
__scs_entry_jumppad:
0x0: {  	(pc) =	sbr.rel $0x88, $3  }
0x1: {  	(tag) =	ssettag $0x0;
	lr =	simm.s32 $0x1  }
0x2: {  	[smem:$0x3F95] =	sst lr;
	_ =	strace $0xD0000000  }
0x3: {  	_ = 	snop  }
0x4: {  	_ = 	snop  }
0x5: {  	_ = 	snop  }
0x6: {  	_ = 	snop  }
0x7: {  	_ = 	snop  }
__scs_overlays_trampoline_lowered:
0x8: {  	[smem:$0x3FA4] =	sst s0  }
0x9: {  	[smem:$0x3FA5] =	sst s1  }
0xa: {  	[smem:$0x3FA6] =	sst s2  }
0xb: {  	[smem:$0x3FA7] =	sst s3  }
0xc: {  	[smem:$0x3FA8] =	sst s4  }
0xd: {  	[smem:$0x3FA9] =	sst s5  }
0xe: {  	[smem:$0x3FAA] =	sst s6  }
0xf: {  	[smem:$0x3FAB] =	sst s7  }
0x10: {  	[smem:$0x3FAC] =	sst s8  }
0x11: {  	[smem:$0x3FAD] =	sst s9;
	s0 =	simm.s32 @!p0 $0x0  }
0x12: {  	s1 =	sld [smem:$0x3F93];
	s0 =	simm.s32 @p0 $0x1  }
0x13: {  	[smem:$0x3FAE] =	sst s0;
	s0 =	simm.s32 @!p1 $0x0  }
0x14: {  	s2 =	sld [smem:$0x3F92];
	s0 =	simm.s32 @p1 $0x1  }
0x15: {  	[smem:$0x3FAF] =	sst s0;
	s0 =	simm.s32 @!p2 $0x0  }
0x16: {  	s3 =	sld [smem:$0x3FDB];
	s0 =	simm.s32 @p2 $0x1  }
0x17: {  	s4 =	simm.s32 $0x1BF5;
	[smem:$0x3FB1] =	sst s0  }
0x18: {  	s0 =	sld [smem:$0x3F94];
	_ =	swait.ge [sflag:s4], $0x0  }
0x19: {  	s7 =	sld [smem:$0x3F95]  }
0x1a: {  	s8 =	sadd.s32 $0xFFFFE003, lr  }
0x1b: {  	s9 =	sadd.s32 $0xFFFFFEF7, lr;
	s5 =	simm.s32 $0xFFFFFFFF;
	p2 =	slt.u32 s8, $0xFFFFF086  }
0x1c: {  	p1 =	slt.u32 s9, $0xF7A;
	s5 =	simm.s32 @!p2 $0x0  }
0x1d: {  	s5 =	simm.s32 @p1 $0x1;
	p0 =	seq.s32 s7, s2  }
0x1e: {  	s7 =	smul.u32 @!p0 $0xF7A, s2;
	p2 =	seq.s32 @!p0 s5, $0x0  }
0x1f: {  	s9 =	smul.u32 $0xF7A, s1;
	s8 =	simm.s32 @!p0 $0x1BF5;
	p2 =	por !p2, p0  }
0x20: {  	[sflag:s8] =	ssyncset.s32 @!p0 $0xFFFFF086;
	s6 =	sadd.s32 @!p0 s3, s7;
	s7 =	simm.s32 @!p0 $0x108  }
0x21: {  	s3 =	sadd.s32 s3, s9;
	s6 =	sadd.s32 @!p0 $0x88, s6;
	s7 =	simm.s32 @p2 $0x1082  }
0x22: {  	[simem:s7], [sflag:s8] =	dma.local @!p0 [hbm:s6], $0xF7A  }
0x23: {  	s9 =	sor.u32 $0xD0000000, s2;
	s6 =	simm.s32 $0x108;
	_ =	swait.ge @!p0 [sflag:s8], $0x0  }
0x24: {  	s3 =	sadd.s32 $0x88, s3;
	s6 =	simm.s32 @!p1 $0x1082;
	[sflag:s4] =	ssyncset.s32 $0xFFFFF086  }
0x25: {  	[simem:s6], [sflag:s4] =	dma.local [hbm:s3], $0xF7A  }
0x26: {  	[smem:$0x3F95] =	sst s1;
	(tag) =	ssettag s2;
	_ =	strace s9  }
0x27: {  	s1 =	sld [smem:$0x3FA5]  }
0x28: {  	s2 =	sld [smem:$0x3FA6]  }
0x29: {  	s4 =	sld [smem:$0x3FA8]  }
0x2a: {  	p0 =	seq.s32 s5, $0x0;
	s5 =	sld [smem:$0x3FA9]  }
0x2b: {  	s6 =	sld [smem:$0x3FAA]  }
0x2c: {  	s7 =	sld [smem:$0x3FAB]  }
0x2d: {  	s3 =	simm.s32 $0x108;
	s8 =	sld [smem:$0x3FAC]  }
0x2e: {  	s3 =	simm.s32 @!p0 $0x1082;
	s9 =	sld [smem:$0x3FAD]  }
0x2f: {  	lr =	sadd.s32 s0, s3;
	s0 =	sld [smem:$0x3FA4]  }
0x30: {  	s3 =	sld [smem:$0x3FA7]  }
0x31: {  	[smem:$0x3FB0] =	sst s10  }
0x32: {  	s10 =	sld [smem:$0x3FAE];
	_ =	sdelay $0x3  }
0x33: {  	p0 =	seq.s32 s10, $0x1;
	s10 =	sld [smem:$0x3FB0];
	_ =	sdelay $0x3  }
0x34: {  	[smem:$0x3FB0] =	sst s10  }
0x35: {  	s10 =	sld [smem:$0x3FAF];
	_ =	sdelay $0x3  }
0x36: {  	p1 =	seq.s32 s10, $0x1;
	s10 =	sld [smem:$0x3FB0];
	_ =	sdelay $0x3  }
0x37: {  	[smem:$0x3FB0] =	sst s10  }
0x38: {  	s10 =	sld [smem:$0x3FB1]  }
0x39: {  	_ = 	snop;
	(pc) =	sbr.ind lr, $3  }
0x3a: {  	_ = 	snop  }
0x3b: {  	_ = 	snop  }
0x3c: {  	p2 =	seq.s32 s10, $0x1;
	s10 =	sld [smem:$0x3FB0]  }
0x3d: {  	_ =	shalt  }
0x3e: {  	_ =	shalt  }
0x3f: {  	_ =	shalt  }
0x40: {  	_ =	shalt  }
0x41: {  	_ =	shalt  }
0x42: {  	_ =	shalt  }
0x43: {  	_ =	shalt  }
0x44: {  	_ =	shalt  }
0x45: {  	_ =	shalt  }
0x46: {  	_ =	shalt  }
0x47: {  	_ =	shalt  }
0x48: {  	_ =	shalt  }
0x49: {  	_ =	shalt  }
0x4a: {  	_ =	shalt  }
0x4b: {  	_ =	shalt  }
0x4c: {  	_ =	shalt  }
0x4d: {  	_ =	shalt  }
0x4e: {  	_ =	shalt  }
0x4f: {  	_ =	shalt  }
0x50: {  	_ =	shalt  }
0x51: {  	_ =	shalt  }
0x52: {  	_ =	shalt  }
0x53: {  	_ =	shalt  }
0x54: {  	_ =	shalt  }
0x55: {  	_ =	shalt  }
0x56: {  	_ =	shalt  }
0x57: {  	_ =	shalt  }
0x58: {  	_ =	shalt  }
0x59: {  	_ =	shalt  }
0x5a: {  	_ =	shalt  }
0x5b: {  	_ =	shalt  }
0x5c: {  	_ =	shalt  }
0x5d: {  	_ =	shalt  }
0x5e: {  	_ =	shalt  }
0x5f: {  	_ =	shalt  }
0x60: {  	_ =	shalt  }
0x61: {  	_ =	shalt  }
0x62: {  	_ =	shalt  }
0x63: {  	_ =	shalt  }
0x64: {  	_ =	shalt  }
0x65: {  	_ =	shalt  }
0x66: {  	_ =	shalt  }
0x67: {  	_ =	shalt  }
0x68: {  	_ =	shalt  }
0x69: {  	_ =	shalt  }
0x6a: {  	_ =	shalt  }
0x6b: {  	_ =	shalt  }
0x6c: {  	_ =	shalt  }
0x6d: {  	_ =	shalt  }
0x6e: {  	_ =	shalt  }
0x6f: {  	_ =	shalt  }
0x70: {  	_ =	shalt  }
0x71: {  	_ =	shalt  }
0x72: {  	_ =	shalt  }
0x73: {  	_ =	shalt  }
0x74: {  	_ =	shalt  }
0x75: {  	_ =	shalt  }
0x76: {  	_ =	shalt  }
0x77: {  	_ =	shalt  }
0x78: {  	_ =	shalt  }
0x79: {  	_ =	shalt  }
0x7a: {  	_ =	shalt  }
0x7b: {  	_ =	shalt  }
0x7c: {  	_ =	shalt  }
0x7d: {  	_ =	shalt  }
0x7e: {  	_ =	shalt  }
0x7f: {  	_ =	shalt  }
0x80: {  	_ =	shalt  }
0x81: {  	_ =	shalt  }
0x82: {  	_ =	shalt  }
0x83: {  	_ =	shalt  }
0x84: {  	_ =	shalt  }
0x85: {  	_ =	shalt  }
0x86: {  	_ =	shalt  }
0x87: {  	_ =	shalt  }
.Lfunc_end0:
.L_simem_size_0:
called_computation.1_lowered:
.L_overlay_start_0:
0x88: {  	s2 =	sld [smem:$0x3FD9]  }
0x89: {  	s3 =	sld [smem:$0x3FFE];
	_ =	sdelay $0x1  }
0x8a: {  	s1 =	srdreg.scid  }
0x8b: {  	s0 =	sand.u32 $0x1, s1  }
0x8c: {  	s16 =	sshll.u32 s0, $0xA;
	s2 =	sadd.s32 s3, s2  }
0x8d: {  	s2 =	sadd.s32 s2, s16  }
0x8e: {  	[smem:$0x3FBC] =	sst s2  }
0x8f: {  	_ = 	snop  }
0x90: {  	(tm) =	ssettm $0x1  }
0x91: {  	s17 =	sld [smem:$0x3FFB];
	_ =	sdelay $0x3  }
0x92: {  	_ =	strace s17  }
0x93: {  	s2 =	sld [smem:$0x3FFC];
	_ =	sdelay $0x3  }
0x94: {  	_ =	strace s2  }
0x95: {  	s2 =	sld [smem:$0x3FFD];
	_ =	sdelay $0x3  }
0x96: {  	_ =	strace s2  }
0x97: {  	_ =	strace $0x8FFFFFFF  }
0x98: {  	s18 =	sld [smem:$0x3FDB];
	_ =	sdelay $0x1  }
0x99: {  	s19 =	simm.s32 $_scs_section_size  }
0x9a: {  	s4 =	simm.s32 $_size__tile_overlayer_lowered;
	s5 =	simm.s32 $_tile_overlayer_lowered  }
0x9b: {  	s22 =	simm.s32 $0x1BFF;
	s21 =	sshll.u32 s5, $0x1;
	s2 =	sadd.s32 s19, s18  }
0x9c: {  	s6 =	simm.s32 $0x0;
	s20 =	sshll.u32 s4, $0x1;
	s4 =	sadd.s32 s21, s2  }
0x9d: {  	[timem:s6], [sflag:s22] =	dma.local [hbm:s4], s20  }
0x9e: {  	_ =	swait.ge [sflag:s22], s20  }
0x9f: {  	s3 =	ssub.s32 $0x0, s20;
	[sflag:s22] =	ssyncset.done $0x0  }
0xa0: {  	[sflag:s22] =	ssyncadd.s32 s3;
	_ =	sdelay $0x1  }
0xa1: {  	s23 =	simm.s32 $0x1B8B  }
0xa2: {  	_ =	swait.ge [sflag:s23], $0x1  }
0xa3: {  	[sflag:s23] =	ssyncset.done $0x0  }
0xa4: {  	s25 =	simm.s32 $0x1B8E;
	s24 =	sld [smem:$0x3FFE];
	[sflag:s23] =	ssyncadd.s32 $0xFFFFFFFF  }
0xa5: {  	s26 =	simm.s32 $execute0_lowered;
	[smem:$0x3FD2] =	sst s25  }
0xa6: {  	s4 =	sshll.u32 s26, $0x1;
	_ =	strace $0x80000046;
	[dreg:$0x1] =	wrdreg $0xFFFFFFFF  }
0xa7: {  	s28 =	simm.s32 $_size_execute0_lowered;
	s2 =	sadd.s32 s2, s4;
	[dreg:$0x0] =	wrdreg $0x0  }
0xa8: {  	s4 =	sshll.u32 s28, $0x1;
	[dreg:$0x2] =	wrdreg s2  }
0xa9: {  	[dreg:$0x3] =	wrdreg s4  }
0xaa: {  	[dreg:$0x4] =	wrdreg $0xC0  }
0xab: {  	_ =	task [dreg:s6], $0x5FFFF  }
0xac: {  	[dreg:$0x1] =	wrdreg $0xFFFFFFFF  }
0xad: {  	[dreg:$0x0] =	wrdreg $0x60  }
0xae: {  	[dreg:$0x2] =	wrdreg s24  }
0xaf: {  	[dreg:$0x3] =	wrdreg $0xA  }
0xb0: {  	_ =	task.clear_ibuf [dreg:s6], $0x4FFFF;
	_ =	strace $0x90000046  }
0xb1: {  	s29 =	simm.s32 $0xA;
	_ =	strace $0x80000048  }
0xb2: {  	_ =	swait.ge [sflag:s29], $0x1  }
0xb3: {  	[sflag:s29] =	ssyncadd.s32 $0xFFFFFFFF  }
0xb4: {  	_ =	strace $0x90000048  }
0xb5: {  	_ =	sfence  }
0xb6: {  	s30 =	sld [smem:$0x0];
	_ =	sdelay $0x2  }
0xb7: {  	s31 =	sshll.u32 s1, $0xD;
	s1 =	sshrl.u32 s1, $0x2  }
0xb8: {  	s3 =	sand.u32 $0x4000, s31;
	s1 =	sadd.s32 s1, s30  }
0xb9: {  	s0 =	sor.u32 s3, s0;
	s1 =	sshll.u32 s1, $0x11  }
0xba: {  	s0 =	sor.u32 s1, s0  }
0xbb: {  	s0 =	sadd.s32 $0x8F2B, s0  }
0xbc: {  	[sflag:s0] =	ssyncadd.remote.s32 $0x1  }
0xbd: {  	_ =	sfence.sel $0xFFFF  }
0xbe: {  	[dreg:$0x0] =	wrdreg $0xFFFFFFFF;
	(pc) =	sbr.abs _section_cstart, $3  }
0xbf: {  	[dreg:$0x1] =	wrdreg $0xFFFFFFFF  }
0xc0: {  	_ =	task.clear_ibuf [dreg:s6], $0x2FFFF;
	_ =	strace $0x9FFFFFFF  }
0xc1: {  	(tm) =	ssettm $0x7FFFFFFF  }
tec
execute0_lowered:
.L_overlay_start_1:
0x0: {  	(tag) =	ssettag $0x1  }
0x1: {  	s1 =	srdreg.scid  }
0x2: {  	s0 =	stileid.u32;
	s11 =	sand.u32 $0x1, s1  }
0x3: {  	s31 =	sshll.u32 s0, $0xA;
	s2 =	sshll.u32 s11, $0x9  }
0x4: {  	s10 =	rddreg [dreg:$0x0];
	s12 =	sor.u32 s2, s31  }
0x5: {  	s1 =	rddreg [dreg:$0x1];
	s2 =	simm.s32 $0x0;
	s3 =	sshrl.u32 s12, $0x3  }
0x6: {  	[smem:$0x7FF] =	sst s2;
	s3 =	sadd.s32 s3, s10  }
0x7: {  	_ =	strace $0x80000047;
	s4 =	sadd.s32 $0x3200, s3;
	s3 =	simm.s32 $0x3  }
0x8: {  	[tilespmem:s2], [sflag:$0x3] =	stream.linear.gather [hbm4b:s4+s2], $0x200, $0x38;
	[tilespmem:$0x10200] =	vst v63  }
0x9: {  	_ =	swait.ge [sflag:s3], $0x200  }
0xa: {  	s6 =	simm.s32 $0x100;
	[sflag:s3] =	ssyncset.done $0x0  }
0xb: {  	s7 =	simm.s32 $0x200;
	s5 =	sadd.s32 $0x3A00, s10;
	[sflag:s3] =	ssyncadd.s32 $0xFFFFFE00  }
0xc: {  	[tilespmem:s7], [sflag:$0x1] =	stream.indirect.gather [hbm4b:s5+s6], $0x80, s2, s6, $0xb8;
	[tilespmem:$0x10200] =	vst v63  }
0xd: {  	s8 =	simm.s32 $0x8200;
	s9 =	simm.s32 $0x1  }
0xe: {  	[tilespmem:s8], [sflag:$0x2] =	stream.indirect.gather [hbm4b:s5+s6], $0x80, s6, s6, $0xb8;
	[tilespmem:$0x10200] =	vst v63  }
0xf: {  	s12 =	sshll.u32 s12, $0x4;
	_ =	swait.ge [sflag:s9], $0x8000  }
0x10: {  	s12 =	sadd.s32 s12, s10;
	[sflag:s9] =	ssyncset.done $0x0  }
0x11: {  	s13 =	ssub.s32 $0x2, s11;
	s10 =	sadd.s32 $0x403A00, s12;
	[sflag:s9] =	ssyncadd.s32 $0xFFFF8000  }
0x12: {  	[hbm4b:s10+s2] =	stream.linear.scatter [tilespmem:s7], [sflag:$0x3], $0x8000, $0x38;
	[tilespmem:$0x10200] =	vst v63  }
0x13: {  	s14 =	sshrl.u32 s13, $0x1;
	_ =	swait.ge [sflag:s3], $0x8000  }
0x14: {  	s13 =	ssub.s32 s13, s14;
	[sflag:s3] =	ssyncset.done $0x0  }
0x15: {  	s11 =	simm.s32 $0x2;
	s13 =	smax.u32 s13, $0x1;
	[sflag:s3] =	ssyncadd.s32 $0xFFFF8000  }
0x16: {  	p0 =	sne.s32 s13, $0x1;
	_ =	swait.ge [sflag:s11], $0x8000  }
.Ltmp0:
0x17: {  	[sflag:s11] =	ssyncset.done $0x0;
	(pc) =	sbr.rel @!p0 .LBB2_2-.Ltmp0, $4  }
0x18: {  	s12 =	sadd.s32 $0x404A00, s12;
	[sflag:s11] =	ssyncadd.s32 $0xFFFF8000  }
0x19: {  	[hbm4b:s12+s2] =	stream.linear.scatter [tilespmem:s8], [sflag:$0x3], $0x8000, $0x38;
	[tilespmem:$0x10200] =	vst v63  }
0x1a: {  	_ =	swait.ge [sflag:s3], $0x8000  }
0x1b: {  	s13 =	sadd.s32 $0xFFFFFFFF, s13;
	[sflag:s3] =	ssyncset.done $0x0  }
.LBB2_1:
0x1c: {  	p0 =	sne.s32 s13, $0x1;
	s13 =	sadd.s32 $0xFFFFFFFF, s13;
	[sflag:s3] =	ssyncadd.s32 $0xFFFF8000  }
0x1d: {  	[tilespmem:s2], [sflag:$0x3] =	stream.linear.gather [hbm4b:s4+s2], $0x200, $0x38;
	[tilespmem:$0x10200] =	vst v63  }
0x1e: {  	_ =	swait.ge [sflag:s3], $0x200  }
0x1f: {  	[sflag:s3] =	ssyncset.done $0x0  }
0x20: {  	[sflag:s3] =	ssyncadd.s32 $0xFFFFFE00  }
0x21: {  	[tilespmem:s7], [sflag:$0x1] =	stream.indirect.gather [hbm4b:s5+s6], $0x80, s2, s6, $0xb8;
	[tilespmem:$0x10200] =	vst v63  }
0x22: {  	_ = 	snop  }
0x23: {  	[tilespmem:s8], [sflag:$0x2] =	stream.indirect.gather [hbm4b:s5+s6], $0x80, s6, s6, $0xb8;
	[tilespmem:$0x10200] =	vst v63  }
0x24: {  	_ =	swait.ge [sflag:s9], $0x8000  }
0x25: {  	[sflag:s9] =	ssyncset.done $0x0  }
0x26: {  	[sflag:s9] =	ssyncadd.s32 $0xFFFF8000  }
0x27: {  	[hbm4b:s10+s2] =	stream.linear.scatter [tilespmem:s7], [sflag:$0x3], $0x8000, $0x38;
	[tilespmem:$0x10200] =	vst v63  }
0x28: {  	_ =	swait.ge [sflag:s3], $0x8000  }
0x29: {  	[sflag:s3] =	ssyncset.done $0x0  }
0x2a: {  	[sflag:s3] =	ssyncadd.s32 $0xFFFF8000  }
0x2b: {  	_ =	swait.ge [sflag:s11], $0x8000  }
.Ltmp1:
0x2c: {  	[sflag:s11] =	ssyncset.done $0x0;
	(pc) =	sbr.rel @p0 .LBB2_1-.Ltmp1, $4  }
0x2d: {  	[sflag:s11] =	ssyncadd.s32 $0xFFFF8000  }
0x2e: {  	[hbm4b:s12+s2] =	stream.linear.scatter [tilespmem:s8], [sflag:$0x3], $0x8000, $0x38;
	[tilespmem:$0x10200] =	vst v63  }
0x2f: {  	_ =	swait.ge [sflag:s3], $0x8000  }
0x30: {  	[sflag:s3] =	ssyncset.done $0x0  }
.LBB2_2:
0x31: {  	[sflag:s3] =	ssyncadd.s32 $0xFFFF8000  }
0x32: {  	_ =	sfence.sel $0x180000  }
0x33: {  	[bflag:$0x0] =	sbarrier.arrive $0xFFFF  }
0x34: {  	p0 =	sne.s32 s0, $0x0;
	_ =	strace $0x90000047  }
0x35: {  	s0 =	sadd.s32 @!p0 $0x100000, s1;
	[bflag:$0x2] =	sbarrier.arrive $0xFFFF  }
0x36: {  	[sflag:s0] =	ssyncadd.tile.s32 @!p0 $0x1;
	_ =	shalt  }
.Lfunc_end2:
_tile_overlayer_lowered:
.L_overlay_start_2:
0x37: {  	(tag) =	ssettag $0x2  }
0x38: {  	s0 =	rddreg [dreg:$0x0];
	s2 =	stileid.u32  }
0x39: {  	s1 =	rddreg [dreg:$0x1];
	p0 =	sne.s32 s2, $0x0  }
0x3a: {  	s3 =	rddreg [dreg:$0x2];
	[bflag:$0x3] =	sbarrier.arrive $0xFFFF;
	s2 =	simm.s32 @!p0 $0x1C03  }
0x3b: {  	[timem:s3], [sflag:s2] =	dma.local @!p0 [hbm:s0], s1  }
0x3c: {  	s0 =	simm.s32 @!p0 $0x3  }
0x3d: {  	_ =	swait.ge @!p0 [sflag:s0], s1  }
0x3e: {  	s1 =	ssub.s32 @!p0 $0x0, s1;
	[sflag:s0] =	ssyncset.done @!p0 $0x0  }
0x3f: {  	[sflag:s0] =	ssyncadd.s32 @!p0 s1  }
0x40: {  	[bflag:$0x3] =	sbarrier.arrive $0xFFFF  }
0x41: {  	_ =	shalt  }

</sc_bundles>
